<compile_context>
chip_gen: v7x
topology: tpu7x:2x2x1
jax: 0.10.2.dev20260603
libtpu: 0.0.44.dev20260713+nightly
codegen_flags: <defaults>
</compile_context>

<pallas_src>
import functools

import jax
import jax.numpy as jnp
from jax import lax
from jax.experimental import pallas as pl
from jax.experimental.pallas import tpu as pltpu
from jax.experimental.pallas import tpu_sc as plsc

B = 16384
VOCAB = 1001
D = 64
F = 10

_NC = 2
_NS = 16
_L = 16
_NW = _NC * _NS
_BPW = B // _NW

_DP = 128
_CH = 128
_NCH = _BPW // _CH
_NT = 2 * _NCH
_NB = 6

_sc_mesh = plsc.VectorSubcoreMesh(core_axis_name="c", subcore_axis_name="s")


@functools.partial(
    pl.kernel,
    mesh=_sc_mesh,
    out_type=[
        jax.ShapeDtypeStruct((B, _DP), jnp.float32),
        jax.ShapeDtypeStruct((B, _DP), jnp.float32),
    ],
    scratch_types=[
        pltpu.VMEM((_BPW,), jnp.int32),
        pltpu.VMEM((_BPW,), jnp.int32),
        pltpu.VMEM((_NB, _CH, _DP), jnp.float32),
    ]
    + [pltpu.SemaphoreType.DMA] * (2 * _NB),
)
def _sc_gather(s_table, e_table, s_id, e_id, s_out, e_out,
               s_idx_v, e_idx_v, rows_v, *sems):
    gsem, wsem = sems[:_NB], sems[_NB:]
    wid = lax.axis_index("s") * _NC + lax.axis_index("c")
    base = wid * _BPW

    pltpu.sync_copy(s_id.at[pl.ds(base, _BPW)], s_idx_v)
    pltpu.sync_copy(e_id.at[pl.ds(base, _BPW)], e_idx_v)

    def _fire_gather(c, b):
        if c < _NCH:
            table, idx = s_table, s_idx_v.at[pl.ds(c * _CH, _CH)]
        else:
            table, idx = e_table, e_idx_v.at[pl.ds((c - _NCH) * _CH, _CH)]
        return pltpu.async_copy(table.at[idx], rows_v.at[b], gsem[b])

    def _fire_wb(c, b):
        if c < _NCH:
            out, row0 = s_out, base + c * _CH
        else:
            out, row0 = e_out, base + (c - _NCH) * _CH
        return pltpu.async_copy(rows_v.at[b], out.at[pl.ds(row0, _CH)],
                                wsem[b])

    g = [None] * _NB
    w = [None] * _NB
    for c in range(_NB):
        g[c] = _fire_gather(c, c)
    for c in range(_NT):
        b = c % _NB
        g[b].wait()
        w[b] = _fire_wb(c, b)
        nc = c + _NB
        if nc < _NT:
            w[b].wait()
            g[b] = _fire_gather(nc, b)
    for c in range(_NT - _NB, _NT):
        w[c % _NB].wait()


def _l2norm(x):
    sq = jnp.sum(x * x, axis=-1, keepdims=True)
    return x * lax.rsqrt(jnp.maximum(sq, 1e-12))


def _tower(x, W1, b1, W2, b2, W3, b3):
    h = jnp.maximum(jnp.dot(x, W1, preferred_element_type=jnp.float32) + b1, 0.0)
    h = jnp.maximum(jnp.dot(h, W2, preferred_element_type=jnp.float32) + b2, 0.0)
    return jnp.maximum(jnp.dot(h, W3, preferred_element_type=jnp.float32) + b3, 0.0)


_R = 4096


def _full(a):
    return pl.BlockSpec(a.shape, lambda i: (0,) * a.ndim)


def _dense_body(sf_ref, ef_ref, sb_ref, eb_ref,
                sW1, sb1, sW2, sb2, sW3, sb3,
                eW1, eb1, eW2, eb2, eW3, eb3,
                rW, rb, lW, lb, kW, kb,
                rank_ref, like_ref, risk_ref):
    s_feat = _tower(sf_ref[...], sW1[...], sb1[...], sW2[...], sb2[...],
                    sW3[...], sb3[...])
    e_feat = _tower(ef_ref[...], eW1[...], eb1[...], eW2[...], eb2[...],
                    eW3[...], eb3[...])
    s_emb = _l2norm(sb_ref[:, :D] + s_feat)
    e_emb = _l2norm(eb_ref[:, :D] + e_feat)
    combined = s_emb * e_emb

    def _head(W, b, out_ref):
        z = lax.dot_general(W[...], combined, (((0,), (1,)), ((), ())),
                            preferred_element_type=jnp.float32) + b[...]
        out_ref[...] = (1.0 / (1.0 + jnp.exp(-z)))[0]

    _head(rW, rb, rank_ref)
    _head(lW, lb, like_ref)
    _head(kW, kb, risk_ref)


def _tc_dense(sf, ef, sb, eb, weights):
    base_spec = pl.BlockSpec((_R, _DP), lambda i: (i, 0))
    feat_spec = pl.BlockSpec((_R, F), lambda i: (i, 0))
    out_spec = pl.BlockSpec((_R,), lambda i: (i,))
    out_shape = jax.ShapeDtypeStruct((B,), jnp.float32)
    return pl.pallas_call(
        _dense_body,
        grid=(B // _R,),
        in_specs=[feat_spec, feat_spec, base_spec, base_spec]
        + [_full(w) for w in weights],
        out_specs=[out_spec] * 3,
        out_shape=[out_shape] * 3,
    )(sf, ef, sb, eb, *weights)


def kernel(student_id, engagement_id, student_features, engagement_features,
           student_table, engagement_table,
           s_W1, s_b1, s_W2, s_b2, s_W3, s_b3,
           e_W1, e_b1, e_W2, e_b2, e_W3, e_b3,
           rank_W, rank_b, like_W, like_b, risk_W, risk_b):
    s_table_p = jnp.pad(student_table, ((0, 0), (0, _DP - D)))
    e_table_p = jnp.pad(engagement_table, ((0, 0), (0, _DP - D)))
    s_base, e_base = _sc_gather(s_table_p, e_table_p,
                                student_id, engagement_id)
    weights = (s_W1, s_b1, s_W2, s_b2, s_W3, s_b3,
               e_W1, e_b1, e_W2, e_b2, e_W3, e_b3,
               rank_W, rank_b, like_W, like_b, risk_W, risk_b)
    rank, like, risk = _tc_dense(student_features, engagement_features,
                                 s_base, e_base, weights)
    return (rank[:, None], like[:, None], risk[:, None])

# --- scband reference (transcript-rebuilt; emitter-appended) ---
"""Pipeline reference for scband-recommender-model-47356309405972 (READ-ONLY COPY).

The authoritative reference and input builder live on the scoring server;
editing this copy changes nothing except your own understanding.
"""

import jax, jax.numpy as jnp
import numpy as np

B = 16384
VOCAB = 1001
D = 64
F = 10

def _mlp(x, W1, b1, W2, b2, W3, b3):
    h = jax.nn.relu(jnp.dot(x, W1) + b1)
    h = jax.nn.relu(jnp.dot(h, W2) + b2)
    return jax.nn.relu(jnp.dot(h, W3) + b3)

def _l2norm(x):
    sq = jnp.sum(x * x, axis=-1, keepdims=True)
    return x * jax.lax.rsqrt(jnp.maximum(sq, 1e-12))

def _dense(k, fan_in, fan_out):
    lim = np.sqrt(6.0 / (fan_in + fan_out))
    return jax.random.uniform(k, (fan_in, fan_out), dtype=jnp.float32, minval=-lim, maxval=lim)

def setup_inputs(seed: int = 0):
    key = jax.random.key(seed)
    ks = jax.random.split(key, 20)
    inp = {}
    inp['student_id'] = jax.random.randint(ks[0], (B,), 0, VOCAB, dtype=jnp.int32)
    inp['engagement_id'] = jax.random.randint(ks[1], (B,), 0, VOCAB, dtype=jnp.int32)
    inp['student_features'] = jax.random.normal(ks[2], (B, F), dtype=jnp.float32)
    inp['engagement_features'] = jax.random.normal(ks[3], (B, F), dtype=jnp.float32)
    inp['student_table'] = jax.random.normal(ks[4], (VOCAB, D), dtype=jnp.float32) * 0.05
    inp['engagement_table'] = jax.random.normal(ks[5], (VOCAB, D), dtype=jnp.float32) * 0.05
    inp['s_W1'] = _dense(ks[6], F, 64); inp['s_b1'] = jnp.zeros((64,), jnp.float32)
    inp['s_W2'] = _dense(ks[7], 64, 32); inp['s_b2'] = jnp.zeros((32,), jnp.float32)
    inp['s_W3'] = _dense(ks[8], 32, D); inp['s_b3'] = jnp.zeros((D,), jnp.float32)
    inp['e_W1'] = _dense(ks[9], F, 64); inp['e_b1'] = jnp.zeros((64,), jnp.float32)
    inp['e_W2'] = _dense(ks[10], 64, 32); inp['e_b2'] = jnp.zeros((32,), jnp.float32)
    inp['e_W3'] = _dense(ks[11], 32, D); inp['e_b3'] = jnp.zeros((D,), jnp.float32)
    inp['rank_W'] = _dense(ks[12], D, 1); inp['rank_b'] = jnp.zeros((1,), jnp.float32)
    inp['like_W'] = _dense(ks[13], D, 1); inp['like_b'] = jnp.zeros((1,), jnp.float32)
    inp['risk_W'] = _dense(ks[14], D, 1); inp['risk_b'] = jnp.zeros((1,), jnp.float32)
    return inp

def reference(student_id, engagement_id, student_features, engagement_features, student_table, engagement_table, s_W1, s_b1, s_W2, s_b2, s_W3, s_b3, e_W1, e_b1, e_W2, e_b2, e_W3, e_b3, rank_W, rank_b, like_W, like_b, risk_W, risk_b):
    # Hashing layer modeled as modulo into num_bins
    s_idx = jnp.mod(student_id, student_table.shape[0])
    e_idx = jnp.mod(engagement_id, engagement_table.shape[0])
    s_base = jnp.take(student_table, s_idx, axis=0)
    e_base = jnp.take(engagement_table, e_idx, axis=0)
    s_feat = _mlp(student_features, s_W1, s_b1, s_W2, s_b2, s_W3, s_b3)
    e_feat = _mlp(engagement_features, e_W1, e_b1, e_W2, e_b2, e_W3, e_b3)
    s_emb = _l2norm(s_base + s_feat)
    e_emb = _l2norm(e_base + e_feat)
    combined = s_emb * e_emb
    ranking = jax.nn.sigmoid(jnp.dot(combined, rank_W) + rank_b)
    likelihood = jax.nn.sigmoid(jnp.dot(combined, like_W) + like_b)
    risk = jax.nn.sigmoid(jnp.dot(combined, risk_W) + risk_b)
    return (ranking, likelihood, risk)

if __name__ == "__main__":
    import jax
    _d = setup_inputs()
    print(jax.jit(kernel)(*tuple(_d.values())))

</pallas_src>

<mosaic_0001>
#map = affine_map<(d0, d1) -> (0, 0)>
#map1 = affine_map<(d0, d1) -> (0)>
module attributes {stable_mosaic.version = 14 : i64} {
  func.func @_sc_gather(%arg0: i32, %arg1: i32, %arg2: memref<1001x128xf32, #tpu.memory_space<hbm>>, %arg3: memref<1001x128xf32, #tpu.memory_space<hbm>>, %arg4: memref<16384xi32, #tpu.memory_space<hbm>>, %arg5: memref<16384xi32, #tpu.memory_space<hbm>>, %arg6: memref<16384x128xf32, #tpu.memory_space<hbm>>, %arg7: memref<16384x128xf32, #tpu.memory_space<hbm>>, %arg8: memref<512xi32, #tpu.memory_space<vmem>>, %arg9: memref<512xi32, #tpu.memory_space<vmem>>, %arg10: memref<6x128x128xf32, #tpu.memory_space<vmem>>, %arg11: memref<!tpu.dma_semaphore, #tpu.memory_space<semaphore_mem>>, %arg12: memref<!tpu.dma_semaphore, #tpu.memory_space<semaphore_mem>>, %arg13: memref<!tpu.dma_semaphore, #tpu.memory_space<semaphore_mem>>, %arg14: memref<!tpu.dma_semaphore, #tpu.memory_space<semaphore_mem>>, %arg15: memref<!tpu.dma_semaphore, #tpu.memory_space<semaphore_mem>>, %arg16: memref<!tpu.dma_semaphore, #tpu.memory_space<semaphore_mem>>, %arg17: memref<!tpu.dma_semaphore, #tpu.memory_space<semaphore_mem>>, %arg18: memref<!tpu.dma_semaphore, #tpu.memory_space<semaphore_mem>>, %arg19: memref<!tpu.dma_semaphore, #tpu.memory_space<semaphore_mem>>, %arg20: memref<!tpu.dma_semaphore, #tpu.memory_space<semaphore_mem>>, %arg21: memref<!tpu.dma_semaphore, #tpu.memory_space<semaphore_mem>>, %arg22: memref<!tpu.dma_semaphore, #tpu.memory_space<semaphore_mem>>) attributes {dimension_semantics = [#tpu.dimension_semantics<core_parallel>, #tpu.dimension_semantics<subcore_parallel>], iteration_bounds = array<i64: 2, 16>, scalar_prefetch = 0 : i64, scratch_operands = 15 : i64, tpu.core_type = #tpu.core_type<sc_vector_subcore>, window_params = [{transform_indices = #map}, {transform_indices = #map}, {transform_indices = #map1}, {transform_indices = #map1}, {transform_indices = #map}, {transform_indices = #map}]} {
    %mul3A = arith.constant 2 : i32
    %mul3A_0 = arith.muli %arg1, %mul3A : i32
    %add3A = arith.addi %mul3A_0, %arg0 : i32
    %mul3A_1 = arith.constant 512 : i32
    %mul3A_2 = arith.muli %add3A, %mul3A_1 : i32
    "tpu.region"() ({
      %run_scoped3A = tpu.sem_alloc : memref<!tpu.dma_semaphore, #tpu.memory_space<semaphore_mem>>
      %dma_start3A_385 = tpu.memref_slice %arg4[%mul3A_2] : memref<16384xi32, #tpu.memory_space<hbm>> -> memref<512xi32, #tpu.memory_space<hbm>>
      %dma_start3A_386 = tpu.memref_slice %arg4[%mul3A_2] : memref<16384xi32, #tpu.memory_space<hbm>> -> memref<512xi32, #tpu.memory_space<hbm>>
      tpu.enqueue_dma source(%dma_start3A_386 : memref<512xi32, #tpu.memory_space<hbm>>) target(%arg8 : memref<512xi32, #tpu.memory_space<vmem>>) target_semaphore(%run_scoped3A : memref<!tpu.dma_semaphore, #tpu.memory_space<semaphore_mem>>)
      %dma_wait3A_387 = tpu.memref_slice %arg4[%mul3A_2] : memref<16384xi32, #tpu.memory_space<hbm>> -> memref<512xi32, #tpu.memory_space<hbm>>
      %dma_wait3A_388 = tpu.memref_slice %arg4[%mul3A_2] : memref<16384xi32, #tpu.memory_space<hbm>> -> memref<512xi32, #tpu.memory_space<hbm>>
      tpu.wait_dma2 semaphore(%run_scoped3A : memref<!tpu.dma_semaphore, #tpu.memory_space<semaphore_mem>>) src(%dma_wait3A_388 : memref<512xi32, #tpu.memory_space<hbm>>) dst(%arg8 : memref<512xi32, #tpu.memory_space<vmem>>)
      tpu.yield
    }) : () -> ()
    "tpu.region"() ({
      %run_scoped3A = tpu.sem_alloc : memref<!tpu.dma_semaphore, #tpu.memory_space<semaphore_mem>>
      %dma_start3A_385 = tpu.memref_slice %arg5[%mul3A_2] : memref<16384xi32, #tpu.memory_space<hbm>> -> memref<512xi32, #tpu.memory_space<hbm>>
      %dma_start3A_386 = tpu.memref_slice %arg5[%mul3A_2] : memref<16384xi32, #tpu.memory_space<hbm>> -> memref<512xi32, #tpu.memory_space<hbm>>
      tpu.enqueue_dma source(%dma_start3A_386 : memref<512xi32, #tpu.memory_space<hbm>>) target(%arg9 : memref<512xi32, #tpu.memory_space<vmem>>) target_semaphore(%run_scoped3A : memref<!tpu.dma_semaphore, #tpu.memory_space<semaphore_mem>>)
      %dma_wait3A_387 = tpu.memref_slice %arg5[%mul3A_2] : memref<16384xi32, #tpu.memory_space<hbm>> -> memref<512xi32, #tpu.memory_space<hbm>>
      %dma_wait3A_388 = tpu.memref_slice %arg5[%mul3A_2] : memref<16384xi32, #tpu.memory_space<hbm>> -> memref<512xi32, #tpu.memory_space<hbm>>
      tpu.wait_dma2 semaphore(%run_scoped3A : memref<!tpu.dma_semaphore, #tpu.memory_space<semaphore_mem>>) src(%dma_wait3A_388 : memref<512xi32, #tpu.memory_space<hbm>>) dst(%arg9 : memref<512xi32, #tpu.memory_space<vmem>>)
      tpu.yield
    }) : () -> ()
    %dma_start3A = arith.constant 0 : i32
    %dma_start3A_3 = arith.constant 0 : i32
    %dma_start3A_4 = arith.constant 0 : i32
    %dma_start3A_5 = tpu.memref_slice %arg10[%dma_start3A, %dma_start3A_3, %dma_start3A_4] : memref<6x128x128xf32, #tpu.memory_space<vmem>> -> memref<1x128x128xf32, #tpu.memory_space<vmem>>
    %dma_start3A_6 = tpu.memref_squeeze %dma_start3A_5 : memref<1x128x128xf32, #tpu.memory_space<vmem>> -> memref<128x128xf32, #tpu.memory_space<vmem>>
    %dma_start3A_7 = arith.constant 0 : i32
    %dma_start3A_8 = tpu.memref_slice %arg8[%dma_start3A_7] : memref<512xi32, #tpu.memory_space<vmem>> -> memref<128xi32, #tpu.memory_space<vmem>>
    %dma_start3A_9 = arith.constant 0 : i32
    %dma_start3A_10 = arith.constant 0 : i32
    %dma_start3A_11 = tpu.memref_slice %arg2[%dma_start3A_9, %dma_start3A_10] : memref<1001x128xf32, #tpu.memory_space<hbm>> -> memref<1001x128xf32, #tpu.memory_space<hbm>>
    tpu.enqueue_indirect_dma source(%dma_start3A_11 : memref<1001x128xf32, #tpu.memory_space<hbm>>) target(%dma_start3A_6 : memref<128x128xf32, #tpu.memory_space<vmem>>) offsets(%dma_start3A_8 : memref<128xi32, #tpu.memory_space<vmem>>) semaphore(%arg11 : memref<!tpu.dma_semaphore, #tpu.memory_space<semaphore_mem>>)
    %dma_start3A_12 = arith.constant 1 : i32
    %dma_start3A_13 = arith.constant 0 : i32
    %dma_start3A_14 = arith.constant 0 : i32
    %dma_start3A_15 = tpu.memref_slice %arg10[%dma_start3A_12, %dma_start3A_13, %dma_start3A_14] : memref<6x128x128xf32, #tpu.memory_space<vmem>> -> memref<1x128x128xf32, #tpu.memory_space<vmem>>
    %dma_start3A_16 = tpu.memref_squeeze %dma_start3A_15 : memref<1x128x128xf32, #tpu.memory_space<vmem>> -> memref<128x128xf32, #tpu.memory_space<vmem>>
    %dma_start3A_17 = arith.constant 128 : i32
    %dma_start3A_18 = tpu.memref_slice %arg8[%dma_start3A_17] : memref<512xi32, #tpu.memory_space<vmem>> -> memref<128xi32, #tpu.memory_space<vmem>>
    %dma_start3A_19 = arith.constant 0 : i32
    %dma_start3A_20 = arith.constant 0 : i32
    %dma_start3A_21 = tpu.memref_slice %arg2[%dma_start3A_19, %dma_start3A_20] : memref<1001x128xf32, #tpu.memory_space<hbm>> -> memref<1001x128xf32, #tpu.memory_space<hbm>>
    tpu.enqueue_indirect_dma source(%dma_start3A_21 : memref<1001x128xf32, #tpu.memory_space<hbm>>) target(%dma_start3A_16 : memref<128x128xf32, #tpu.memory_space<vmem>>) offsets(%dma_start3A_18 : memref<128xi32, #tpu.memory_space<vmem>>) semaphore(%arg12 : memref<!tpu.dma_semaphore, #tpu.memory_space<semaphore_mem>>)
    %dma_start3A_22 = arith.constant 2 : i32
    %dma_start3A_23 = arith.constant 0 : i32
    %dma_start3A_24 = arith.constant 0 : i32
    %dma_start3A_25 = tpu.memref_slice %arg10[%dma_start3A_22, %dma_start3A_23, %dma_start3A_24] : memref<6x128x128xf32, #tpu.memory_space<vmem>> -> memref<1x128x128xf32, #tpu.memory_space<vmem>>
    %dma_start3A_26 = tpu.memref_squeeze %dma_start3A_25 : memref<1x128x128xf32, #tpu.memory_space<vmem>> -> memref<128x128xf32, #tpu.memory_space<vmem>>
    %dma_start3A_27 = arith.constant 256 : i32
    %dma_start3A_28 = tpu.memref_slice %arg8[%dma_start3A_27] : memref<512xi32, #tpu.memory_space<vmem>> -> memref<128xi32, #tpu.memory_space<vmem>>
    %dma_start3A_29 = arith.constant 0 : i32
    %dma_start3A_30 = arith.constant 0 : i32
    %dma_start3A_31 = tpu.memref_slice %arg2[%dma_start3A_29, %dma_start3A_30] : memref<1001x128xf32, #tpu.memory_space<hbm>> -> memref<1001x128xf32, #tpu.memory_space<hbm>>
    tpu.enqueue_indirect_dma source(%dma_start3A_31 : memref<1001x128xf32, #tpu.memory_space<hbm>>) target(%dma_start3A_26 : memref<128x128xf32, #tpu.memory_space<vmem>>) offsets(%dma_start3A_28 : memref<128xi32, #tpu.memory_space<vmem>>) semaphore(%arg13 : memref<!tpu.dma_semaphore, #tpu.memory_space<semaphore_mem>>)
    %dma_start3A_32 = arith.constant 3 : i32
    %dma_start3A_33 = arith.constant 0 : i32
    %dma_start3A_34 = arith.constant 0 : i32
    %dma_start3A_35 = tpu.memref_slice %arg10[%dma_start3A_32, %dma_start3A_33, %dma_start3A_34] : memref<6x128x128xf32, #tpu.memory_space<vmem>> -> memref<1x128x128xf32, #tpu.memory_space<vmem>>
    %dma_start3A_36 = tpu.memref_squeeze %dma_start3A_35 : memref<1x128x128xf32, #tpu.memory_space<vmem>> -> memref<128x128xf32, #tpu.memory_space<vmem>>
    %dma_start3A_37 = arith.constant 384 : i32
    %dma_start3A_38 = tpu.memref_slice %arg8[%dma_start3A_37] : memref<512xi32, #tpu.memory_space<vmem>> -> memref<128xi32, #tpu.memory_space<vmem>>
    %dma_start3A_39 = arith.constant 0 : i32
    %dma_start3A_40 = arith.constant 0 : i32
    %dma_start3A_41 = tpu.memref_slice %arg2[%dma_start3A_39, %dma_start3A_40] : memref<1001x128xf32, #tpu.memory_space<hbm>> -> memref<1001x128xf32, #tpu.memory_space<hbm>>
    tpu.enqueue_indirect_dma source(%dma_start3A_41 : memref<1001x128xf32, #tpu.memory_space<hbm>>) target(%dma_start3A_36 : memref<128x128xf32, #tpu.memory_space<vmem>>) offsets(%dma_start3A_38 : memref<128xi32, #tpu.memory_space<vmem>>) semaphore(%arg14 : memref<!tpu.dma_semaphore, #tpu.memory_space<semaphore_mem>>)
    %dma_start3A_42 = arith.constant 4 : i32
    %dma_start3A_43 = arith.constant 0 : i32
    %dma_start3A_44 = arith.constant 0 : i32
    %dma_start3A_45 = tpu.memref_slice %arg10[%dma_start3A_42, %dma_start3A_43, %dma_start3A_44] : memref<6x128x128xf32, #tpu.memory_space<vmem>> -> memref<1x128x128xf32, #tpu.memory_space<vmem>>
    %dma_start3A_46 = tpu.memref_squeeze %dma_start3A_45 : memref<1x128x128xf32, #tpu.memory_space<vmem>> -> memref<128x128xf32, #tpu.memory_space<vmem>>
    %dma_start3A_47 = arith.constant 0 : i32
    %dma_start3A_48 = tpu.memref_slice %arg9[%dma_start3A_47] : memref<512xi32, #tpu.memory_space<vmem>> -> memref<128xi32, #tpu.memory_space<vmem>>
    %dma_start3A_49 = arith.constant 0 : i32
    %dma_start3A_50 = arith.constant 0 : i32
    %dma_start3A_51 = tpu.memref_slice %arg3[%dma_start3A_49, %dma_start3A_50] : memref<1001x128xf32, #tpu.memory_space<hbm>> -> memref<1001x128xf32, #tpu.memory_space<hbm>>
    tpu.enqueue_indirect_dma source(%dma_start3A_51 : memref<1001x128xf32, #tpu.memory_space<hbm>>) target(%dma_start3A_46 : memref<128x128xf32, #tpu.memory_space<vmem>>) offsets(%dma_start3A_48 : memref<128xi32, #tpu.memory_space<vmem>>) semaphore(%arg15 : memref<!tpu.dma_semaphore, #tpu.memory_space<semaphore_mem>>)
    %dma_start3A_52 = arith.constant 5 : i32
    %dma_start3A_53 = arith.constant 0 : i32
    %dma_start3A_54 = arith.constant 0 : i32
    %dma_start3A_55 = tpu.memref_slice %arg10[%dma_start3A_52, %dma_start3A_53, %dma_start3A_54] : memref<6x128x128xf32, #tpu.memory_space<vmem>> -> memref<1x128x128xf32, #tpu.memory_space<vmem>>
    %dma_start3A_56 = tpu.memref_squeeze %dma_start3A_55 : memref<1x128x128xf32, #tpu.memory_space<vmem>> -> memref<128x128xf32, #tpu.memory_space<vmem>>
    %dma_start3A_57 = arith.constant 128 : i32
    %dma_start3A_58 = tpu.memref_slice %arg9[%dma_start3A_57] : memref<512xi32, #tpu.memory_space<vmem>> -> memref<128xi32, #tpu.memory_space<vmem>>
    %dma_start3A_59 = arith.constant 0 : i32
    %dma_start3A_60 = arith.constant 0 : i32
    %dma_start3A_61 = tpu.memref_slice %arg3[%dma_start3A_59, %dma_start3A_60] : memref<1001x128xf32, #tpu.memory_space<hbm>> -> memref<1001x128xf32, #tpu.memory_space<hbm>>
    tpu.enqueue_indirect_dma source(%dma_start3A_61 : memref<1001x128xf32, #tpu.memory_space<hbm>>) target(%dma_start3A_56 : memref<128x128xf32, #tpu.memory_space<vmem>>) offsets(%dma_start3A_58 : memref<128xi32, #tpu.memory_space<vmem>>) semaphore(%arg16 : memref<!tpu.dma_semaphore, #tpu.memory_space<semaphore_mem>>)
    %dma_wait3A = arith.constant 0 : i32
    %dma_wait3A_62 = arith.constant 0 : i32
    %dma_wait3A_63 = arith.constant 0 : i32
    %dma_wait3A_64 = tpu.memref_slice %arg10[%dma_wait3A, %dma_wait3A_62, %dma_wait3A_63] : memref<6x128x128xf32, #tpu.memory_space<vmem>> -> memref<1x128x128xf32, #tpu.memory_space<vmem>>
    %dma_wait3A_65 = tpu.memref_squeeze %dma_wait3A_64 : memref<1x128x128xf32, #tpu.memory_space<vmem>> -> memref<128x128xf32, #tpu.memory_space<vmem>>
    %dma_wait3A_66 = arith.constant 0 : i32
    %dma_wait3A_67 = tpu.memref_slice %arg8[%dma_wait3A_66] : memref<512xi32, #tpu.memory_space<vmem>> -> memref<128xi32, #tpu.memory_space<vmem>>
    %dma_wait3A_68 = arith.constant 0 : i32
    %dma_wait3A_69 = arith.constant 0 : i32
    %dma_wait3A_70 = tpu.memref_slice %arg2[%dma_wait3A_68, %dma_wait3A_69] : memref<1001x128xf32, #tpu.memory_space<hbm>> -> memref<1001x128xf32, #tpu.memory_space<hbm>>
    tpu.wait_indirect_dma semaphore(%arg11 : memref<!tpu.dma_semaphore, #tpu.memory_space<semaphore_mem>>) src(%dma_wait3A_70 : memref<1001x128xf32, #tpu.memory_space<hbm>>) dst(%dma_wait3A_65 : memref<128x128xf32, #tpu.memory_space<vmem>>)
    %add3A_71 = arith.constant 0 : i32
    %add3A_72 = arith.addi %mul3A_2, %add3A_71 : i32
    %dma_start3A_73 = arith.constant 0 : i32
    %dma_start3A_74 = arith.constant 0 : i32
    %dma_start3A_75 = arith.constant 0 : i32
    %dma_start3A_76 = tpu.memref_slice %arg10[%dma_start3A_73, %dma_start3A_74, %dma_start3A_75] : memref<6x128x128xf32, #tpu.memory_space<vmem>> -> memref<1x128x128xf32, #tpu.memory_space<vmem>>
    %dma_start3A_77 = tpu.memref_squeeze %dma_start3A_76 : memref<1x128x128xf32, #tpu.memory_space<vmem>> -> memref<128x128xf32, #tpu.memory_space<vmem>>
    %dma_start3A_78 = arith.constant 0 : i32
    %dma_start3A_79 = tpu.memref_slice %arg6[%add3A_72, %dma_start3A_78] : memref<16384x128xf32, #tpu.memory_space<hbm>> -> memref<128x128xf32, #tpu.memory_space<hbm>>
    %dma_start3A_80 = arith.constant 0 : i32
    %dma_start3A_81 = tpu.memref_slice %arg6[%add3A_72, %dma_start3A_80] : memref<16384x128xf32, #tpu.memory_space<hbm>> -> memref<128x128xf32, #tpu.memory_space<hbm>>
    %dma_start3A_82 = arith.constant 0 : i32
    %dma_start3A_83 = arith.constant 0 : i32
    %dma_start3A_84 = tpu.memref_slice %arg10[%dma_start3A_73, %dma_start3A_82, %dma_start3A_83] : memref<6x128x128xf32, #tpu.memory_space<vmem>> -> memref<1x128x128xf32, #tpu.memory_space<vmem>>
    %dma_start3A_85 = tpu.memref_squeeze %dma_start3A_84 : memref<1x128x128xf32, #tpu.memory_space<vmem>> -> memref<128x128xf32, #tpu.memory_space<vmem>>
    tpu.enqueue_dma source(%dma_start3A_85 : memref<128x128xf32, #tpu.memory_space<vmem>>) target(%dma_start3A_81 : memref<128x128xf32, #tpu.memory_space<hbm>>) target_semaphore(%arg17 : memref<!tpu.dma_semaphore, #tpu.memory_space<semaphore_mem>>)
    %dma_wait3A_86 = arith.constant 0 : i32
    %dma_wait3A_87 = arith.constant 0 : i32
    %dma_wait3A_88 = arith.constant 0 : i32
    %dma_wait3A_89 = tpu.memref_slice %arg10[%dma_wait3A_86, %dma_wait3A_87, %dma_wait3A_88] : memref<6x128x128xf32, #tpu.memory_space<vmem>> -> memref<1x128x128xf32, #tpu.memory_space<vmem>>
    %dma_wait3A_90 = tpu.memref_squeeze %dma_wait3A_89 : memref<1x128x128xf32, #tpu.memory_space<vmem>> -> memref<128x128xf32, #tpu.memory_space<vmem>>
    %dma_wait3A_91 = arith.constant 0 : i32
    %dma_wait3A_92 = tpu.memref_slice %arg6[%add3A_72, %dma_wait3A_91] : memref<16384x128xf32, #tpu.memory_space<hbm>> -> memref<128x128xf32, #tpu.memory_space<hbm>>
    %dma_wait3A_93 = arith.constant 0 : i32
    %dma_wait3A_94 = tpu.memref_slice %arg6[%add3A_72, %dma_wait3A_93] : memref<16384x128xf32, #tpu.memory_space<hbm>> -> memref<128x128xf32, #tpu.memory_space<hbm>>
    %dma_wait3A_95 = arith.constant 0 : i32
    %dma_wait3A_96 = arith.constant 0 : i32
    %dma_wait3A_97 = tpu.memref_slice %arg10[%dma_wait3A_86, %dma_wait3A_95, %dma_wait3A_96] : memref<6x128x128xf32, #tpu.memory_space<vmem>> -> memref<1x128x128xf32, #tpu.memory_space<vmem>>
    %dma_wait3A_98 = tpu.memref_squeeze %dma_wait3A_97 : memref<1x128x128xf32, #tpu.memory_space<vmem>> -> memref<128x128xf32, #tpu.memory_space<vmem>>
    tpu.wait_dma2 semaphore(%arg17 : memref<!tpu.dma_semaphore, #tpu.memory_space<semaphore_mem>>) src(%dma_wait3A_98 : memref<128x128xf32, #tpu.memory_space<vmem>>) dst(%dma_wait3A_94 : memref<128x128xf32, #tpu.memory_space<hbm>>)
    %dma_start3A_99 = arith.constant 0 : i32
    %dma_start3A_100 = arith.constant 0 : i32
    %dma_start3A_101 = arith.constant 0 : i32
    %dma_start3A_102 = tpu.memref_slice %arg10[%dma_start3A_99, %dma_start3A_100, %dma_start3A_101] : memref<6x128x128xf32, #tpu.memory_space<vmem>> -> memref<1x128x128xf32, #tpu.memory_space<vmem>>
    %dma_start3A_103 = tpu.memref_squeeze %dma_start3A_102 : memref<1x128x128xf32, #tpu.memory_space<vmem>> -> memref<128x128xf32, #tpu.memory_space<vmem>>
    %dma_start3A_104 = arith.constant 256 : i32
    %dma_start3A_105 = tpu.memref_slice %arg9[%dma_start3A_104] : memref<512xi32, #tpu.memory_space<vmem>> -> memref<128xi32, #tpu.memory_space<vmem>>
    %dma_start3A_106 = arith.constant 0 : i32
    %dma_start3A_107 = arith.constant 0 : i32
    %dma_start3A_108 = tpu.memref_slice %arg3[%dma_start3A_106, %dma_start3A_107] : memref<1001x128xf32, #tpu.memory_space<hbm>> -> memref<1001x128xf32, #tpu.memory_space<hbm>>
    tpu.enqueue_indirect_dma source(%dma_start3A_108 : memref<1001x128xf32, #tpu.memory_space<hbm>>) target(%dma_start3A_103 : memref<128x128xf32, #tpu.memory_space<vmem>>) offsets(%dma_start3A_105 : memref<128xi32, #tpu.memory_space<vmem>>) semaphore(%arg11 : memref<!tpu.dma_semaphore, #tpu.memory_space<semaphore_mem>>)
    %dma_wait3A_109 = arith.constant 1 : i32
    %dma_wait3A_110 = arith.constant 0 : i32
    %dma_wait3A_111 = arith.constant 0 : i32
    %dma_wait3A_112 = tpu.memref_slice %arg10[%dma_wait3A_109, %dma_wait3A_110, %dma_wait3A_111] : memref<6x128x128xf32, #tpu.memory_space<vmem>> -> memref<1x128x128xf32, #tpu.memory_space<vmem>>
    %dma_wait3A_113 = tpu.memref_squeeze %dma_wait3A_112 : memref<1x128x128xf32, #tpu.memory_space<vmem>> -> memref<128x128xf32, #tpu.memory_space<vmem>>
    %dma_wait3A_114 = arith.constant 128 : i32
    %dma_wait3A_115 = tpu.memref_slice %arg8[%dma_wait3A_114] : memref<512xi32, #tpu.memory_space<vmem>> -> memref<128xi32, #tpu.memory_space<vmem>>
    %dma_wait3A_116 = arith.constant 0 : i32
    %dma_wait3A_117 = arith.constant 0 : i32
    %dma_wait3A_118 = tpu.memref_slice %arg2[%dma_wait3A_116, %dma_wait3A_117] : memref<1001x128xf32, #tpu.memory_space<hbm>> -> memref<1001x128xf32, #tpu.memory_space<hbm>>
    tpu.wait_indirect_dma semaphore(%arg12 : memref<!tpu.dma_semaphore, #tpu.memory_space<semaphore_mem>>) src(%dma_wait3A_118 : memref<1001x128xf32, #tpu.memory_space<hbm>>) dst(%dma_wait3A_113 : memref<128x128xf32, #tpu.memory_space<vmem>>)
    %add3A_119 = arith.constant 128 : i32
    %add3A_120 = arith.addi %mul3A_2, %add3A_119 : i32
    %dma_start3A_121 = arith.constant 1 : i32
    %dma_start3A_122 = arith.constant 0 : i32
    %dma_start3A_123 = arith.constant 0 : i32
    %dma_start3A_124 = tpu.memref_slice %arg10[%dma_start3A_121, %dma_start3A_122, %dma_start3A_123] : memref<6x128x128xf32, #tpu.memory_space<vmem>> -> memref<1x128x128xf32, #tpu.memory_space<vmem>>
    %dma_start3A_125 = tpu.memref_squeeze %dma_start3A_124 : memref<1x128x128xf32, #tpu.memory_space<vmem>> -> memref<128x128xf32, #tpu.memory_space<vmem>>
    %dma_start3A_126 = arith.constant 0 : i32
    %dma_start3A_127 = tpu.memref_slice %arg6[%add3A_120, %dma_start3A_126] : memref<16384x128xf32, #tpu.memory_space<hbm>> -> memref<128x128xf32, #tpu.memory_space<hbm>>
    %dma_start3A_128 = arith.constant 0 : i32
    %dma_start3A_129 = tpu.memref_slice %arg6[%add3A_120, %dma_start3A_128] : memref<16384x128xf32, #tpu.memory_space<hbm>> -> memref<128x128xf32, #tpu.memory_space<hbm>>
    %dma_start3A_130 = arith.constant 0 : i32
    %dma_start3A_131 = arith.constant 0 : i32
    %dma_start3A_132 = tpu.memref_slice %arg10[%dma_start3A_121, %dma_start3A_130, %dma_start3A_131] : memref<6x128x128xf32, #tpu.memory_space<vmem>> -> memref<1x128x128xf32, #tpu.memory_space<vmem>>
    %dma_start3A_133 = tpu.memref_squeeze %dma_start3A_132 : memref<1x128x128xf32, #tpu.memory_space<vmem>> -> memref<128x128xf32, #tpu.memory_space<vmem>>
    tpu.enqueue_dma source(%dma_start3A_133 : memref<128x128xf32, #tpu.memory_space<vmem>>) target(%dma_start3A_129 : memref<128x128xf32, #tpu.memory_space<hbm>>) target_semaphore(%arg18 : memref<!tpu.dma_semaphore, #tpu.memory_space<semaphore_mem>>)
    %dma_wait3A_134 = arith.constant 1 : i32
    %dma_wait3A_135 = arith.constant 0 : i32
    %dma_wait3A_136 = arith.constant 0 : i32
    %dma_wait3A_137 = tpu.memref_slice %arg10[%dma_wait3A_134, %dma_wait3A_135, %dma_wait3A_136] : memref<6x128x128xf32, #tpu.memory_space<vmem>> -> memref<1x128x128xf32, #tpu.memory_space<vmem>>
    %dma_wait3A_138 = tpu.memref_squeeze %dma_wait3A_137 : memref<1x128x128xf32, #tpu.memory_space<vmem>> -> memref<128x128xf32, #tpu.memory_space<vmem>>
    %dma_wait3A_139 = arith.constant 0 : i32
    %dma_wait3A_140 = tpu.memref_slice %arg6[%add3A_120, %dma_wait3A_139] : memref<16384x128xf32, #tpu.memory_space<hbm>> -> memref<128x128xf32, #tpu.memory_space<hbm>>
    %dma_wait3A_141 = arith.constant 0 : i32
    %dma_wait3A_142 = tpu.memref_slice %arg6[%add3A_120, %dma_wait3A_141] : memref<16384x128xf32, #tpu.memory_space<hbm>> -> memref<128x128xf32, #tpu.memory_space<hbm>>
    %dma_wait3A_143 = arith.constant 0 : i32
    %dma_wait3A_144 = arith.constant 0 : i32
    %dma_wait3A_145 = tpu.memref_slice %arg10[%dma_wait3A_134, %dma_wait3A_143, %dma_wait3A_144] : memref<6x128x128xf32, #tpu.memory_space<vmem>> -> memref<1x128x128xf32, #tpu.memory_space<vmem>>
    %dma_wait3A_146 = tpu.memref_squeeze %dma_wait3A_145 : memref<1x128x128xf32, #tpu.memory_space<vmem>> -> memref<128x128xf32, #tpu.memory_space<vmem>>
    tpu.wait_dma2 semaphore(%arg18 : memref<!tpu.dma_semaphore, #tpu.memory_space<semaphore_mem>>) src(%dma_wait3A_146 : memref<128x128xf32, #tpu.memory_space<vmem>>) dst(%dma_wait3A_142 : memref<128x128xf32, #tpu.memory_space<hbm>>)
    %dma_start3A_147 = arith.constant 1 : i32
    %dma_start3A_148 = arith.constant 0 : i32
    %dma_start3A_149 = arith.constant 0 : i32
    %dma_start3A_150 = tpu.memref_slice %arg10[%dma_start3A_147, %dma_start3A_148, %dma_start3A_149] : memref<6x128x128xf32, #tpu.memory_space<vmem>> -> memref<1x128x128xf32, #tpu.memory_space<vmem>>
    %dma_start3A_151 = tpu.memref_squeeze %dma_start3A_150 : memref<1x128x128xf32, #tpu.memory_space<vmem>> -> memref<128x128xf32, #tpu.memory_space<vmem>>
    %dma_start3A_152 = arith.constant 384 : i32
    %dma_start3A_153 = tpu.memref_slice %arg9[%dma_start3A_152] : memref<512xi32, #tpu.memory_space<vmem>> -> memref<128xi32, #tpu.memory_space<vmem>>
    %dma_start3A_154 = arith.constant 0 : i32
    %dma_start3A_155 = arith.constant 0 : i32
    %dma_start3A_156 = tpu.memref_slice %arg3[%dma_start3A_154, %dma_start3A_155] : memref<1001x128xf32, #tpu.memory_space<hbm>> -> memref<1001x128xf32, #tpu.memory_space<hbm>>
    tpu.enqueue_indirect_dma source(%dma_start3A_156 : memref<1001x128xf32, #tpu.memory_space<hbm>>) target(%dma_start3A_151 : memref<128x128xf32, #tpu.memory_space<vmem>>) offsets(%dma_start3A_153 : memref<128xi32, #tpu.memory_space<vmem>>) semaphore(%arg12 : memref<!tpu.dma_semaphore, #tpu.memory_space<semaphore_mem>>)
    %dma_wait3A_157 = arith.constant 2 : i32
    %dma_wait3A_158 = arith.constant 0 : i32
    %dma_wait3A_159 = arith.constant 0 : i32
    %dma_wait3A_160 = tpu.memref_slice %arg10[%dma_wait3A_157, %dma_wait3A_158, %dma_wait3A_159] : memref<6x128x128xf32, #tpu.memory_space<vmem>> -> memref<1x128x128xf32, #tpu.memory_space<vmem>>
    %dma_wait3A_161 = tpu.memref_squeeze %dma_wait3A_160 : memref<1x128x128xf32, #tpu.memory_space<vmem>> -> memref<128x128xf32, #tpu.memory_space<vmem>>
    %dma_wait3A_162 = arith.constant 256 : i32
    %dma_wait3A_163 = tpu.memref_slice %arg8[%dma_wait3A_162] : memref<512xi32, #tpu.memory_space<vmem>> -> memref<128xi32, #tpu.memory_space<vmem>>
    %dma_wait3A_164 = arith.constant 0 : i32
    %dma_wait3A_165 = arith.constant 0 : i32
    %dma_wait3A_166 = tpu.memref_slice %arg2[%dma_wait3A_164, %dma_wait3A_165] : memref<1001x128xf32, #tpu.memory_space<hbm>> -> memref<1001x128xf32, #tpu.memory_space<hbm>>
    tpu.wait_indirect_dma semaphore(%arg13 : memref<!tpu.dma_semaphore, #tpu.memory_space<semaphore_mem>>) src(%dma_wait3A_166 : memref<1001x128xf32, #tpu.memory_space<hbm>>) dst(%dma_wait3A_161 : memref<128x128xf32, #tpu.memory_space<vmem>>)
    %add3A_167 = arith.constant 256 : i32
    %add3A_168 = arith.addi %mul3A_2, %add3A_167 : i32
    %dma_start3A_169 = arith.constant 2 : i32
    %dma_start3A_170 = arith.constant 0 : i32
    %dma_start3A_171 = arith.constant 0 : i32
    %dma_start3A_172 = tpu.memref_slice %arg10[%dma_start3A_169, %dma_start3A_170, %dma_start3A_171] : memref<6x128x128xf32, #tpu.memory_space<vmem>> -> memref<1x128x128xf32, #tpu.memory_space<vmem>>
    %dma_start3A_173 = tpu.memref_squeeze %dma_start3A_172 : memref<1x128x128xf32, #tpu.memory_space<vmem>> -> memref<128x128xf32, #tpu.memory_space<vmem>>
    %dma_start3A_174 = arith.constant 0 : i32
    %dma_start3A_175 = tpu.memref_slice %arg6[%add3A_168, %dma_start3A_174] : memref<16384x128xf32, #tpu.memory_space<hbm>> -> memref<128x128xf32, #tpu.memory_space<hbm>>
    %dma_start3A_176 = arith.constant 0 : i32
    %dma_start3A_177 = tpu.memref_slice %arg6[%add3A_168, %dma_start3A_176] : memref<16384x128xf32, #tpu.memory_space<hbm>> -> memref<128x128xf32, #tpu.memory_space<hbm>>
    %dma_start3A_178 = arith.constant 0 : i32
    %dma_start3A_179 = arith.constant 0 : i32
    %dma_start3A_180 = tpu.memref_slice %arg10[%dma_start3A_169, %dma_start3A_178, %dma_start3A_179] : memref<6x128x128xf32, #tpu.memory_space<vmem>> -> memref<1x128x128xf32, #tpu.memory_space<vmem>>
    %dma_start3A_181 = tpu.memref_squeeze %dma_start3A_180 : memref<1x128x128xf32, #tpu.memory_space<vmem>> -> memref<128x128xf32, #tpu.memory_space<vmem>>
    tpu.enqueue_dma source(%dma_start3A_181 : memref<128x128xf32, #tpu.memory_space<vmem>>) target(%dma_start3A_177 : memref<128x128xf32, #tpu.memory_space<hbm>>) target_semaphore(%arg19 : memref<!tpu.dma_semaphore, #tpu.memory_space<semaphore_mem>>)
    %dma_wait3A_182 = arith.constant 3 : i32
    %dma_wait3A_183 = arith.constant 0 : i32
    %dma_wait3A_184 = arith.constant 0 : i32
    %dma_wait3A_185 = tpu.memref_slice %arg10[%dma_wait3A_182, %dma_wait3A_183, %dma_wait3A_184] : memref<6x128x128xf32, #tpu.memory_space<vmem>> -> memref<1x128x128xf32, #tpu.memory_space<vmem>>
    %dma_wait3A_186 = tpu.memref_squeeze %dma_wait3A_185 : memref<1x128x128xf32, #tpu.memory_space<vmem>> -> memref<128x128xf32, #tpu.memory_space<vmem>>
    %dma_wait3A_187 = arith.constant 384 : i32
    %dma_wait3A_188 = tpu.memref_slice %arg8[%dma_wait3A_187] : memref<512xi32, #tpu.memory_space<vmem>> -> memref<128xi32, #tpu.memory_space<vmem>>
    %dma_wait3A_189 = arith.constant 0 : i32
    %dma_wait3A_190 = arith.constant 0 : i32
    %dma_wait3A_191 = tpu.memref_slice %arg2[%dma_wait3A_189, %dma_wait3A_190] : memref<1001x128xf32, #tpu.memory_space<hbm>> -> memref<1001x128xf32, #tpu.memory_space<hbm>>
    tpu.wait_indirect_dma semaphore(%arg14 : memref<!tpu.dma_semaphore, #tpu.memory_space<semaphore_mem>>) src(%dma_wait3A_191 : memref<1001x128xf32, #tpu.memory_space<hbm>>) dst(%dma_wait3A_186 : memref<128x128xf32, #tpu.memory_space<vmem>>)
    %add3A_192 = arith.constant 384 : i32
    %add3A_193 = arith.addi %mul3A_2, %add3A_192 : i32
    %dma_start3A_194 = arith.constant 3 : i32
    %dma_start3A_195 = arith.constant 0 : i32
    %dma_start3A_196 = arith.constant 0 : i32
    %dma_start3A_197 = tpu.memref_slice %arg10[%dma_start3A_194, %dma_start3A_195, %dma_start3A_196] : memref<6x128x128xf32, #tpu.memory_space<vmem>> -> memref<1x128x128xf32, #tpu.memory_space<vmem>>
    %dma_start3A_198 = tpu.memref_squeeze %dma_start3A_197 : memref<1x128x128xf32, #tpu.memory_space<vmem>> -> memref<128x128xf32, #tpu.memory_space<vmem>>
    %dma_start3A_199 = arith.constant 0 : i32
    %dma_start3A_200 = tpu.memref_slice %arg6[%add3A_193, %dma_start3A_199] : memref<16384x128xf32, #tpu.memory_space<hbm>> -> memref<128x128xf32, #tpu.memory_space<hbm>>
    %dma_start3A_201 = arith.constant 0 : i32
    %dma_start3A_202 = tpu.memref_slice %arg6[%add3A_193, %dma_start3A_201] : memref<16384x128xf32, #tpu.memory_space<hbm>> -> memref<128x128xf32, #tpu.memory_space<hbm>>
    %dma_start3A_203 = arith.constant 0 : i32
    %dma_start3A_204 = arith.constant 0 : i32
    %dma_start3A_205 = tpu.memref_slice %arg10[%dma_start3A_194, %dma_start3A_203, %dma_start3A_204] : memref<6x128x128xf32, #tpu.memory_space<vmem>> -> memref<1x128x128xf32, #tpu.memory_space<vmem>>
    %dma_start3A_206 = tpu.memref_squeeze %dma_start3A_205 : memref<1x128x128xf32, #tpu.memory_space<vmem>> -> memref<128x128xf32, #tpu.memory_space<vmem>>
    tpu.enqueue_dma source(%dma_start3A_206 : memref<128x128xf32, #tpu.memory_space<vmem>>) target(%dma_start3A_202 : memref<128x128xf32, #tpu.memory_space<hbm>>) target_semaphore(%arg20 : memref<!tpu.dma_semaphore, #tpu.memory_space<semaphore_mem>>)
    %dma_wait3A_207 = arith.constant 4 : i32
    %dma_wait3A_208 = arith.constant 0 : i32
    %dma_wait3A_209 = arith.constant 0 : i32
    %dma_wait3A_210 = tpu.memref_slice %arg10[%dma_wait3A_207, %dma_wait3A_208, %dma_wait3A_209] : memref<6x128x128xf32, #tpu.memory_space<vmem>> -> memref<1x128x128xf32, #tpu.memory_space<vmem>>
    %dma_wait3A_211 = tpu.memref_squeeze %dma_wait3A_210 : memref<1x128x128xf32, #tpu.memory_space<vmem>> -> memref<128x128xf32, #tpu.memory_space<vmem>>
    %dma_wait3A_212 = arith.constant 0 : i32
    %dma_wait3A_213 = tpu.memref_slice %arg9[%dma_wait3A_212] : memref<512xi32, #tpu.memory_space<vmem>> -> memref<128xi32, #tpu.memory_space<vmem>>
    %dma_wait3A_214 = arith.constant 0 : i32
    %dma_wait3A_215 = arith.constant 0 : i32
    %dma_wait3A_216 = tpu.memref_slice %arg3[%dma_wait3A_214, %dma_wait3A_215] : memref<1001x128xf32, #tpu.memory_space<hbm>> -> memref<1001x128xf32, #tpu.memory_space<hbm>>
    tpu.wait_indirect_dma semaphore(%arg15 : memref<!tpu.dma_semaphore, #tpu.memory_space<semaphore_mem>>) src(%dma_wait3A_216 : memref<1001x128xf32, #tpu.memory_space<hbm>>) dst(%dma_wait3A_211 : memref<128x128xf32, #tpu.memory_space<vmem>>)
    %add3A_217 = arith.constant 0 : i32
    %add3A_218 = arith.addi %mul3A_2, %add3A_217 : i32
    %dma_start3A_219 = arith.constant 4 : i32
    %dma_start3A_220 = arith.constant 0 : i32
    %dma_start3A_221 = arith.constant 0 : i32
    %dma_start3A_222 = tpu.memref_slice %arg10[%dma_start3A_219, %dma_start3A_220, %dma_start3A_221] : memref<6x128x128xf32, #tpu.memory_space<vmem>> -> memref<1x128x128xf32, #tpu.memory_space<vmem>>
    %dma_start3A_223 = tpu.memref_squeeze %dma_start3A_222 : memref<1x128x128xf32, #tpu.memory_space<vmem>> -> memref<128x128xf32, #tpu.memory_space<vmem>>
    %dma_start3A_224 = arith.constant 0 : i32
    %dma_start3A_225 = tpu.memref_slice %arg7[%add3A_218, %dma_start3A_224] : memref<16384x128xf32, #tpu.memory_space<hbm>> -> memref<128x128xf32, #tpu.memory_space<hbm>>
    %dma_start3A_226 = arith.constant 0 : i32
    %dma_start3A_227 = tpu.memref_slice %arg7[%add3A_218, %dma_start3A_226] : memref<16384x128xf32, #tpu.memory_space<hbm>> -> memref<128x128xf32, #tpu.memory_space<hbm>>
    %dma_start3A_228 = arith.constant 0 : i32
    %dma_start3A_229 = arith.constant 0 : i32
    %dma_start3A_230 = tpu.memref_slice %arg10[%dma_start3A_219, %dma_start3A_228, %dma_start3A_229] : memref<6x128x128xf32, #tpu.memory_space<vmem>> -> memref<1x128x128xf32, #tpu.memory_space<vmem>>
    %dma_start3A_231 = tpu.memref_squeeze %dma_start3A_230 : memref<1x128x128xf32, #tpu.memory_space<vmem>> -> memref<128x128xf32, #tpu.memory_space<vmem>>
    tpu.enqueue_dma source(%dma_start3A_231 : memref<128x128xf32, #tpu.memory_space<vmem>>) target(%dma_start3A_227 : memref<128x128xf32, #tpu.memory_space<hbm>>) target_semaphore(%arg21 : memref<!tpu.dma_semaphore, #tpu.memory_space<semaphore_mem>>)
    %dma_wait3A_232 = arith.constant 5 : i32
    %dma_wait3A_233 = arith.constant 0 : i32
    %dma_wait3A_234 = arith.constant 0 : i32
    %dma_wait3A_235 = tpu.memref_slice %arg10[%dma_wait3A_232, %dma_wait3A_233, %dma_wait3A_234] : memref<6x128x128xf32, #tpu.memory_space<vmem>> -> memref<1x128x128xf32, #tpu.memory_space<vmem>>
    %dma_wait3A_236 = tpu.memref_squeeze %dma_wait3A_235 : memref<1x128x128xf32, #tpu.memory_space<vmem>> -> memref<128x128xf32, #tpu.memory_space<vmem>>
    %dma_wait3A_237 = arith.constant 128 : i32
    %dma_wait3A_238 = tpu.memref_slice %arg9[%dma_wait3A_237] : memref<512xi32, #tpu.memory_space<vmem>> -> memref<128xi32, #tpu.memory_space<vmem>>
    %dma_wait3A_239 = arith.constant 0 : i32
    %dma_wait3A_240 = arith.constant 0 : i32
    %dma_wait3A_241 = tpu.memref_slice %arg3[%dma_wait3A_239, %dma_wait3A_240] : memref<1001x128xf32, #tpu.memory_space<hbm>> -> memref<1001x128xf32, #tpu.memory_space<hbm>>
    tpu.wait_indirect_dma semaphore(%arg16 : memref<!tpu.dma_semaphore, #tpu.memory_space<semaphore_mem>>) src(%dma_wait3A_241 : memref<1001x128xf32, #tpu.memory_space<hbm>>) dst(%dma_wait3A_236 : memref<128x128xf32, #tpu.memory_space<vmem>>)
    %add3A_242 = arith.constant 128 : i32
    %add3A_243 = arith.addi %mul3A_2, %add3A_242 : i32
    %dma_start3A_244 = arith.constant 5 : i32
    %dma_start3A_245 = arith.constant 0 : i32
    %dma_start3A_246 = arith.constant 0 : i32
    %dma_start3A_247 = tpu.memref_slice %arg10[%dma_start3A_244, %dma_start3A_245, %dma_start3A_246] : memref<6x128x128xf32, #tpu.memory_space<vmem>> -> memref<1x128x128xf32, #tpu.memory_space<vmem>>
    %dma_start3A_248 = tpu.memref_squeeze %dma_start3A_247 : memref<1x128x128xf32, #tpu.memory_space<vmem>> -> memref<128x128xf32, #tpu.memory_space<vmem>>
    %dma_start3A_249 = arith.constant 0 : i32
    %dma_start3A_250 = tpu.memref_slice %arg7[%add3A_243, %dma_start3A_249] : memref<16384x128xf32, #tpu.memory_space<hbm>> -> memref<128x128xf32, #tpu.memory_space<hbm>>
    %dma_start3A_251 = arith.constant 0 : i32
    %dma_start3A_252 = tpu.memref_slice %arg7[%add3A_243, %dma_start3A_251] : memref<16384x128xf32, #tpu.memory_space<hbm>> -> memref<128x128xf32, #tpu.memory_space<hbm>>
    %dma_start3A_253 = arith.constant 0 : i32
    %dma_start3A_254 = arith.constant 0 : i32
    %dma_start3A_255 = tpu.memref_slice %arg10[%dma_start3A_244, %dma_start3A_253, %dma_start3A_254] : memref<6x128x128xf32, #tpu.memory_space<vmem>> -> memref<1x128x128xf32, #tpu.memory_space<vmem>>
    %dma_start3A_256 = tpu.memref_squeeze %dma_start3A_255 : memref<1x128x128xf32, #tpu.memory_space<vmem>> -> memref<128x128xf32, #tpu.memory_space<vmem>>
    tpu.enqueue_dma source(%dma_start3A_256 : memref<128x128xf32, #tpu.memory_space<vmem>>) target(%dma_start3A_252 : memref<128x128xf32, #tpu.memory_space<hbm>>) target_semaphore(%arg22 : memref<!tpu.dma_semaphore, #tpu.memory_space<semaphore_mem>>)
    %dma_wait3A_257 = arith.constant 0 : i32
    %dma_wait3A_258 = arith.constant 0 : i32
    %dma_wait3A_259 = arith.constant 0 : i32
    %dma_wait3A_260 = tpu.memref_slice %arg10[%dma_wait3A_257, %dma_wait3A_258, %dma_wait3A_259] : memref<6x128x128xf32, #tpu.memory_space<vmem>> -> memref<1x128x128xf32, #tpu.memory_space<vmem>>
    %dma_wait3A_261 = tpu.memref_squeeze %dma_wait3A_260 : memref<1x128x128xf32, #tpu.memory_space<vmem>> -> memref<128x128xf32, #tpu.memory_space<vmem>>
    %dma_wait3A_262 = arith.constant 256 : i32
    %dma_wait3A_263 = tpu.memref_slice %arg9[%dma_wait3A_262] : memref<512xi32, #tpu.memory_space<vmem>> -> memref<128xi32, #tpu.memory_space<vmem>>
    %dma_wait3A_264 = arith.constant 0 : i32
    %dma_wait3A_265 = arith.constant 0 : i32
    %dma_wait3A_266 = tpu.memref_slice %arg3[%dma_wait3A_264, %dma_wait3A_265] : memref<1001x128xf32, #tpu.memory_space<hbm>> -> memref<1001x128xf32, #tpu.memory_space<hbm>>
    tpu.wait_indirect_dma semaphore(%arg11 : memref<!tpu.dma_semaphore, #tpu.memory_space<semaphore_mem>>) src(%dma_wait3A_266 : memref<1001x128xf32, #tpu.memory_space<hbm>>) dst(%dma_wait3A_261 : memref<128x128xf32, #tpu.memory_space<vmem>>)
    %add3A_267 = arith.constant 256 : i32
    %add3A_268 = arith.addi %mul3A_2, %add3A_267 : i32
    %dma_start3A_269 = arith.constant 0 : i32
    %dma_start3A_270 = arith.constant 0 : i32
    %dma_start3A_271 = arith.constant 0 : i32
    %dma_start3A_272 = tpu.memref_slice %arg10[%dma_start3A_269, %dma_start3A_270, %dma_start3A_271] : memref<6x128x128xf32, #tpu.memory_space<vmem>> -> memref<1x128x128xf32, #tpu.memory_space<vmem>>
    %dma_start3A_273 = tpu.memref_squeeze %dma_start3A_272 : memref<1x128x128xf32, #tpu.memory_space<vmem>> -> memref<128x128xf32, #tpu.memory_space<vmem>>
    %dma_start3A_274 = arith.constant 0 : i32
    %dma_start3A_275 = tpu.memref_slice %arg7[%add3A_268, %dma_start3A_274] : memref<16384x128xf32, #tpu.memory_space<hbm>> -> memref<128x128xf32, #tpu.memory_space<hbm>>
    %dma_start3A_276 = arith.constant 0 : i32
    %dma_start3A_277 = tpu.memref_slice %arg7[%add3A_268, %dma_start3A_276] : memref<16384x128xf32, #tpu.memory_space<hbm>> -> memref<128x128xf32, #tpu.memory_space<hbm>>
    %dma_start3A_278 = arith.constant 0 : i32
    %dma_start3A_279 = arith.constant 0 : i32
    %dma_start3A_280 = tpu.memref_slice %arg10[%dma_start3A_269, %dma_start3A_278, %dma_start3A_279] : memref<6x128x128xf32, #tpu.memory_space<vmem>> -> memref<1x128x128xf32, #tpu.memory_space<vmem>>
    %dma_start3A_281 = tpu.memref_squeeze %dma_start3A_280 : memref<1x128x128xf32, #tpu.memory_space<vmem>> -> memref<128x128xf32, #tpu.memory_space<vmem>>
    tpu.enqueue_dma source(%dma_start3A_281 : memref<128x128xf32, #tpu.memory_space<vmem>>) target(%dma_start3A_277 : memref<128x128xf32, #tpu.memory_space<hbm>>) target_semaphore(%arg17 : memref<!tpu.dma_semaphore, #tpu.memory_space<semaphore_mem>>)
    %dma_wait3A_282 = arith.constant 1 : i32
    %dma_wait3A_283 = arith.constant 0 : i32
    %dma_wait3A_284 = arith.constant 0 : i32
    %dma_wait3A_285 = tpu.memref_slice %arg10[%dma_wait3A_282, %dma_wait3A_283, %dma_wait3A_284] : memref<6x128x128xf32, #tpu.memory_space<vmem>> -> memref<1x128x128xf32, #tpu.memory_space<vmem>>
    %dma_wait3A_286 = tpu.memref_squeeze %dma_wait3A_285 : memref<1x128x128xf32, #tpu.memory_space<vmem>> -> memref<128x128xf32, #tpu.memory_space<vmem>>
    %dma_wait3A_287 = arith.constant 384 : i32
    %dma_wait3A_288 = tpu.memref_slice %arg9[%dma_wait3A_287] : memref<512xi32, #tpu.memory_space<vmem>> -> memref<128xi32, #tpu.memory_space<vmem>>
    %dma_wait3A_289 = arith.constant 0 : i32
    %dma_wait3A_290 = arith.constant 0 : i32
    %dma_wait3A_291 = tpu.memref_slice %arg3[%dma_wait3A_289, %dma_wait3A_290] : memref<1001x128xf32, #tpu.memory_space<hbm>> -> memref<1001x128xf32, #tpu.memory_space<hbm>>
    tpu.wait_indirect_dma semaphore(%arg12 : memref<!tpu.dma_semaphore, #tpu.memory_space<semaphore_mem>>) src(%dma_wait3A_291 : memref<1001x128xf32, #tpu.memory_space<hbm>>) dst(%dma_wait3A_286 : memref<128x128xf32, #tpu.memory_space<vmem>>)
    %add3A_292 = arith.constant 384 : i32
    %add3A_293 = arith.addi %mul3A_2, %add3A_292 : i32
    %dma_start3A_294 = arith.constant 1 : i32
    %dma_start3A_295 = arith.constant 0 : i32
    %dma_start3A_296 = arith.constant 0 : i32
    %dma_start3A_297 = tpu.memref_slice %arg10[%dma_start3A_294, %dma_start3A_295, %dma_start3A_296] : memref<6x128x128xf32, #tpu.memory_space<vmem>> -> memref<1x128x128xf32, #tpu.memory_space<vmem>>
    %dma_start3A_298 = tpu.memref_squeeze %dma_start3A_297 : memref<1x128x128xf32, #tpu.memory_space<vmem>> -> memref<128x128xf32, #tpu.memory_space<vmem>>
    %dma_start3A_299 = arith.constant 0 : i32
    %dma_start3A_300 = tpu.memref_slice %arg7[%add3A_293, %dma_start3A_299] : memref<16384x128xf32, #tpu.memory_space<hbm>> -> memref<128x128xf32, #tpu.memory_space<hbm>>
    %dma_start3A_301 = arith.constant 0 : i32
    %dma_start3A_302 = tpu.memref_slice %arg7[%add3A_293, %dma_start3A_301] : memref<16384x128xf32, #tpu.memory_space<hbm>> -> memref<128x128xf32, #tpu.memory_space<hbm>>
    %dma_start3A_303 = arith.constant 0 : i32
    %dma_start3A_304 = arith.constant 0 : i32
    %dma_start3A_305 = tpu.memref_slice %arg10[%dma_start3A_294, %dma_start3A_303, %dma_start3A_304] : memref<6x128x128xf32, #tpu.memory_space<vmem>> -> memref<1x128x128xf32, #tpu.memory_space<vmem>>
    %dma_start3A_306 = tpu.memref_squeeze %dma_start3A_305 : memref<1x128x128xf32, #tpu.memory_space<vmem>> -> memref<128x128xf32, #tpu.memory_space<vmem>>
    tpu.enqueue_dma source(%dma_start3A_306 : memref<128x128xf32, #tpu.memory_space<vmem>>) target(%dma_start3A_302 : memref<128x128xf32, #tpu.memory_space<hbm>>) target_semaphore(%arg18 : memref<!tpu.dma_semaphore, #tpu.memory_space<semaphore_mem>>)
    %dma_wait3A_307 = arith.constant 2 : i32
    %dma_wait3A_308 = arith.constant 0 : i32
    %dma_wait3A_309 = arith.constant 0 : i32
    %dma_wait3A_310 = tpu.memref_slice %arg10[%dma_wait3A_307, %dma_wait3A_308, %dma_wait3A_309] : memref<6x128x128xf32, #tpu.memory_space<vmem>> -> memref<1x128x128xf32, #tpu.memory_space<vmem>>
    %dma_wait3A_311 = tpu.memref_squeeze %dma_wait3A_310 : memref<1x128x128xf32, #tpu.memory_space<vmem>> -> memref<128x128xf32, #tpu.memory_space<vmem>>
    %dma_wait3A_312 = arith.constant 0 : i32
    %dma_wait3A_313 = tpu.memref_slice %arg6[%add3A_168, %dma_wait3A_312] : memref<16384x128xf32, #tpu.memory_space<hbm>> -> memref<128x128xf32, #tpu.memory_space<hbm>>
    %dma_wait3A_314 = arith.constant 0 : i32
    %dma_wait3A_315 = tpu.memref_slice %arg6[%add3A_168, %dma_wait3A_314] : memref<16384x128xf32, #tpu.memory_space<hbm>> -> memref<128x128xf32, #tpu.memory_space<hbm>>
    %dma_wait3A_316 = arith.constant 0 : i32
    %dma_wait3A_317 = arith.constant 0 : i32
    %dma_wait3A_318 = tpu.memref_slice %arg10[%dma_wait3A_307, %dma_wait3A_316, %dma_wait3A_317] : memref<6x128x128xf32, #tpu.memory_space<vmem>> -> memref<1x128x128xf32, #tpu.memory_space<vmem>>
    %dma_wait3A_319 = tpu.memref_squeeze %dma_wait3A_318 : memref<1x128x128xf32, #tpu.memory_space<vmem>> -> memref<128x128xf32, #tpu.memory_space<vmem>>
    tpu.wait_dma2 semaphore(%arg19 : memref<!tpu.dma_semaphore, #tpu.memory_space<semaphore_mem>>) src(%dma_wait3A_319 : memref<128x128xf32, #tpu.memory_space<vmem>>) dst(%dma_wait3A_315 : memref<128x128xf32, #tpu.memory_space<hbm>>)
    %dma_wait3A_320 = arith.constant 3 : i32
    %dma_wait3A_321 = arith.constant 0 : i32
    %dma_wait3A_322 = arith.constant 0 : i32
    %dma_wait3A_323 = tpu.memref_slice %arg10[%dma_wait3A_320, %dma_wait3A_321, %dma_wait3A_322] : memref<6x128x128xf32, #tpu.memory_space<vmem>> -> memref<1x128x128xf32, #tpu.memory_space<vmem>>
    %dma_wait3A_324 = tpu.memref_squeeze %dma_wait3A_323 : memref<1x128x128xf32, #tpu.memory_space<vmem>> -> memref<128x128xf32, #tpu.memory_space<vmem>>
    %dma_wait3A_325 = arith.constant 0 : i32
    %dma_wait3A_326 = tpu.memref_slice %arg6[%add3A_193, %dma_wait3A_325] : memref<16384x128xf32, #tpu.memory_space<hbm>> -> memref<128x128xf32, #tpu.memory_space<hbm>>
    %dma_wait3A_327 = arith.constant 0 : i32
    %dma_wait3A_328 = tpu.memref_slice %arg6[%add3A_193, %dma_wait3A_327] : memref<16384x128xf32, #tpu.memory_space<hbm>> -> memref<128x128xf32, #tpu.memory_space<hbm>>
    %dma_wait3A_329 = arith.constant 0 : i32
    %dma_wait3A_330 = arith.constant 0 : i32
    %dma_wait3A_331 = tpu.memref_slice %arg10[%dma_wait3A_320, %dma_wait3A_329, %dma_wait3A_330] : memref<6x128x128xf32, #tpu.memory_space<vmem>> -> memref<1x128x128xf32, #tpu.memory_space<vmem>>
    %dma_wait3A_332 = tpu.memref_squeeze %dma_wait3A_331 : memref<1x128x128xf32, #tpu.memory_space<vmem>> -> memref<128x128xf32, #tpu.memory_space<vmem>>
    tpu.wait_dma2 semaphore(%arg20 : memref<!tpu.dma_semaphore, #tpu.memory_space<semaphore_mem>>) src(%dma_wait3A_332 : memref<128x128xf32, #tpu.memory_space<vmem>>) dst(%dma_wait3A_328 : memref<128x128xf32, #tpu.memory_space<hbm>>)
    %dma_wait3A_333 = arith.constant 4 : i32
    %dma_wait3A_334 = arith.constant 0 : i32
    %dma_wait3A_335 = arith.constant 0 : i32
    %dma_wait3A_336 = tpu.memref_slice %arg10[%dma_wait3A_333, %dma_wait3A_334, %dma_wait3A_335] : memref<6x128x128xf32, #tpu.memory_space<vmem>> -> memref<1x128x128xf32, #tpu.memory_space<vmem>>
    %dma_wait3A_337 = tpu.memref_squeeze %dma_wait3A_336 : memref<1x128x128xf32, #tpu.memory_space<vmem>> -> memref<128x128xf32, #tpu.memory_space<vmem>>
    %dma_wait3A_338 = arith.constant 0 : i32
    %dma_wait3A_339 = tpu.memref_slice %arg7[%add3A_218, %dma_wait3A_338] : memref<16384x128xf32, #tpu.memory_space<hbm>> -> memref<128x128xf32, #tpu.memory_space<hbm>>
    %dma_wait3A_340 = arith.constant 0 : i32
    %dma_wait3A_341 = tpu.memref_slice %arg7[%add3A_218, %dma_wait3A_340] : memref<16384x128xf32, #tpu.memory_space<hbm>> -> memref<128x128xf32, #tpu.memory_space<hbm>>
    %dma_wait3A_342 = arith.constant 0 : i32
    %dma_wait3A_343 = arith.constant 0 : i32
    %dma_wait3A_344 = tpu.memref_slice %arg10[%dma_wait3A_333, %dma_wait3A_342, %dma_wait3A_343] : memref<6x128x128xf32, #tpu.memory_space<vmem>> -> memref<1x128x128xf32, #tpu.memory_space<vmem>>
    %dma_wait3A_345 = tpu.memref_squeeze %dma_wait3A_344 : memref<1x128x128xf32, #tpu.memory_space<vmem>> -> memref<128x128xf32, #tpu.memory_space<vmem>>
    tpu.wait_dma2 semaphore(%arg21 : memref<!tpu.dma_semaphore, #tpu.memory_space<semaphore_mem>>) src(%dma_wait3A_345 : memref<128x128xf32, #tpu.memory_space<vmem>>) dst(%dma_wait3A_341 : memref<128x128xf32, #tpu.memory_space<hbm>>)
    %dma_wait3A_346 = arith.constant 5 : i32
    %dma_wait3A_347 = arith.constant 0 : i32
    %dma_wait3A_348 = arith.constant 0 : i32
    %dma_wait3A_349 = tpu.memref_slice %arg10[%dma_wait3A_346, %dma_wait3A_347, %dma_wait3A_348] : memref<6x128x128xf32, #tpu.memory_space<vmem>> -> memref<1x128x128xf32, #tpu.memory_space<vmem>>
    %dma_wait3A_350 = tpu.memref_squeeze %dma_wait3A_349 : memref<1x128x128xf32, #tpu.memory_space<vmem>> -> memref<128x128xf32, #tpu.memory_space<vmem>>
    %dma_wait3A_351 = arith.constant 0 : i32
    %dma_wait3A_352 = tpu.memref_slice %arg7[%add3A_243, %dma_wait3A_351] : memref<16384x128xf32, #tpu.memory_space<hbm>> -> memref<128x128xf32, #tpu.memory_space<hbm>>
    %dma_wait3A_353 = arith.constant 0 : i32
    %dma_wait3A_354 = tpu.memref_slice %arg7[%add3A_243, %dma_wait3A_353] : memref<16384x128xf32, #tpu.memory_space<hbm>> -> memref<128x128xf32, #tpu.memory_space<hbm>>
    %dma_wait3A_355 = arith.constant 0 : i32
    %dma_wait3A_356 = arith.constant 0 : i32
    %dma_wait3A_357 = tpu.memref_slice %arg10[%dma_wait3A_346, %dma_wait3A_355, %dma_wait3A_356] : memref<6x128x128xf32, #tpu.memory_space<vmem>> -> memref<1x128x128xf32, #tpu.memory_space<vmem>>
    %dma_wait3A_358 = tpu.memref_squeeze %dma_wait3A_357 : memref<1x128x128xf32, #tpu.memory_space<vmem>> -> memref<128x128xf32, #tpu.memory_space<vmem>>
    tpu.wait_dma2 semaphore(%arg22 : memref<!tpu.dma_semaphore, #tpu.memory_space<semaphore_mem>>) src(%dma_wait3A_358 : memref<128x128xf32, #tpu.memory_space<vmem>>) dst(%dma_wait3A_354 : memref<128x128xf32, #tpu.memory_space<hbm>>)
    %dma_wait3A_359 = arith.constant 0 : i32
    %dma_wait3A_360 = arith.constant 0 : i32
    %dma_wait3A_361 = arith.constant 0 : i32
    %dma_wait3A_362 = tpu.memref_slice %arg10[%dma_wait3A_359, %dma_wait3A_360, %dma_wait3A_361] : memref<6x128x128xf32, #tpu.memory_space<vmem>> -> memref<1x128x128xf32, #tpu.memory_space<vmem>>
    %dma_wait3A_363 = tpu.memref_squeeze %dma_wait3A_362 : memref<1x128x128xf32, #tpu.memory_space<vmem>> -> memref<128x128xf32, #tpu.memory_space<vmem>>
    %dma_wait3A_364 = arith.constant 0 : i32
    %dma_wait3A_365 = tpu.memref_slice %arg7[%add3A_268, %dma_wait3A_364] : memref<16384x128xf32, #tpu.memory_space<hbm>> -> memref<128x128xf32, #tpu.memory_space<hbm>>
    %dma_wait3A_366 = arith.constant 0 : i32
    %dma_wait3A_367 = tpu.memref_slice %arg7[%add3A_268, %dma_wait3A_366] : memref<16384x128xf32, #tpu.memory_space<hbm>> -> memref<128x128xf32, #tpu.memory_space<hbm>>
    %dma_wait3A_368 = arith.constant 0 : i32
    %dma_wait3A_369 = arith.constant 0 : i32
    %dma_wait3A_370 = tpu.memref_slice %arg10[%dma_wait3A_359, %dma_wait3A_368, %dma_wait3A_369] : memref<6x128x128xf32, #tpu.memory_space<vmem>> -> memref<1x128x128xf32, #tpu.memory_space<vmem>>
    %dma_wait3A_371 = tpu.memref_squeeze %dma_wait3A_370 : memref<1x128x128xf32, #tpu.memory_space<vmem>> -> memref<128x128xf32, #tpu.memory_space<vmem>>
    tpu.wait_dma2 semaphore(%arg17 : memref<!tpu.dma_semaphore, #tpu.memory_space<semaphore_mem>>) src(%dma_wait3A_371 : memref<128x128xf32, #tpu.memory_space<vmem>>) dst(%dma_wait3A_367 : memref<128x128xf32, #tpu.memory_space<hbm>>)
    %dma_wait3A_372 = arith.constant 1 : i32
    %dma_wait3A_373 = arith.constant 0 : i32
    %dma_wait3A_374 = arith.constant 0 : i32
    %dma_wait3A_375 = tpu.memref_slice %arg10[%dma_wait3A_372, %dma_wait3A_373, %dma_wait3A_374] : memref<6x128x128xf32, #tpu.memory_space<vmem>> -> memref<1x128x128xf32, #tpu.memory_space<vmem>>
    %dma_wait3A_376 = tpu.memref_squeeze %dma_wait3A_375 : memref<1x128x128xf32, #tpu.memory_space<vmem>> -> memref<128x128xf32, #tpu.memory_space<vmem>>
    %dma_wait3A_377 = arith.constant 0 : i32
    %dma_wait3A_378 = tpu.memref_slice %arg7[%add3A_293, %dma_wait3A_377] : memref<16384x128xf32, #tpu.memory_space<hbm>> -> memref<128x128xf32, #tpu.memory_space<hbm>>
    %dma_wait3A_379 = arith.constant 0 : i32
    %dma_wait3A_380 = tpu.memref_slice %arg7[%add3A_293, %dma_wait3A_379] : memref<16384x128xf32, #tpu.memory_space<hbm>> -> memref<128x128xf32, #tpu.memory_space<hbm>>
    %dma_wait3A_381 = arith.constant 0 : i32
    %dma_wait3A_382 = arith.constant 0 : i32
    %dma_wait3A_383 = tpu.memref_slice %arg10[%dma_wait3A_372, %dma_wait3A_381, %dma_wait3A_382] : memref<6x128x128xf32, #tpu.memory_space<vmem>> -> memref<1x128x128xf32, #tpu.memory_space<vmem>>
    %dma_wait3A_384 = tpu.memref_squeeze %dma_wait3A_383 : memref<1x128x128xf32, #tpu.memory_space<vmem>> -> memref<128x128xf32, #tpu.memory_space<vmem>>
    tpu.wait_dma2 semaphore(%arg18 : memref<!tpu.dma_semaphore, #tpu.memory_space<semaphore_mem>>) src(%dma_wait3A_384 : memref<128x128xf32, #tpu.memory_space<vmem>>) dst(%dma_wait3A_380 : memref<128x128xf32, #tpu.memory_space<hbm>>)
    return
  }
}

module attributes {stable_mosaic.version = 14 : i64} {
  func.func @_dense_body(%arg0: i32, %arg1: memref<4096x10xf32, #tpu.memory_space<vmem>>, %arg2: memref<4096x10xf32, #tpu.memory_space<vmem>>, %arg3: memref<4096x128xf32, #tpu.memory_space<vmem>>, %arg4: memref<4096x128xf32, #tpu.memory_space<vmem>>, %arg5: memref<10x64xf32, #tpu.memory_space<vmem>>, %arg6: memref<64xf32, #tpu.memory_space<vmem>>, %arg7: memref<64x32xf32, #tpu.memory_space<vmem>>, %arg8: memref<32xf32, #tpu.memory_space<vmem>>, %arg9: memref<32x64xf32, #tpu.memory_space<vmem>>, %arg10: memref<64xf32, #tpu.memory_space<vmem>>, %arg11: memref<10x64xf32, #tpu.memory_space<vmem>>, %arg12: memref<64xf32, #tpu.memory_space<vmem>>, %arg13: memref<64x32xf32, #tpu.memory_space<vmem>>, %arg14: memref<32xf32, #tpu.memory_space<vmem>>, %arg15: memref<32x64xf32, #tpu.memory_space<vmem>>, %arg16: memref<64xf32, #tpu.memory_space<vmem>>, %arg17: memref<64x1xf32, #tpu.memory_space<vmem>>, %arg18: memref<1xf32, #tpu.memory_space<vmem>>, %arg19: memref<64x1xf32, #tpu.memory_space<vmem>>, %arg20: memref<1xf32, #tpu.memory_space<vmem>>, %arg21: memref<64x1xf32, #tpu.memory_space<vmem>>, %arg22: memref<1xf32, #tpu.memory_space<vmem>>, %arg23: memref<4096xf32, #tpu.memory_space<vmem>>, %arg24: memref<4096xf32, #tpu.memory_space<vmem>>, %arg25: memref<4096xf32, #tpu.memory_space<vmem>>) attributes {dimension_semantics = [#tpu.dimension_semantics<arbitrary>], iteration_bounds = array<i64: 4>, scalar_prefetch = 0 : i64, scratch_operands = 0 : i64, tpu.core_type = #tpu.core_type<tc>, window_params = [{transform_indices = @transform_0, window_bounds = array<i64: 4096, 10>}, {transform_indices = @transform_1, window_bounds = array<i64: 4096, 10>}, {transform_indices = @transform_2, window_bounds = array<i64: 4096, 128>}, {transform_indices = @transform_3, window_bounds = array<i64: 4096, 128>}, {pipeline_mode = #tpu.pipeline_mode<synchronous>, transform_indices = @transform_4, window_bounds = array<i64: 10, 64>}, {pipeline_mode = #tpu.pipeline_mode<synchronous>, transform_indices = @transform_5, window_bounds = array<i64: 64>}, {pipeline_mode = #tpu.pipeline_mode<synchronous>, transform_indices = @transform_6, window_bounds = array<i64: 64, 32>}, {pipeline_mode = #tpu.pipeline_mode<synchronous>, transform_indices = @transform_7, window_bounds = array<i64: 32>}, {pipeline_mode = #tpu.pipeline_mode<synchronous>, transform_indices = @transform_8, window_bounds = array<i64: 32, 64>}, {pipeline_mode = #tpu.pipeline_mode<synchronous>, transform_indices = @transform_9, window_bounds = array<i64: 64>}, {pipeline_mode = #tpu.pipeline_mode<synchronous>, transform_indices = @transform_10, window_bounds = array<i64: 10, 64>}, {pipeline_mode = #tpu.pipeline_mode<synchronous>, transform_indices = @transform_11, window_bounds = array<i64: 64>}, {pipeline_mode = #tpu.pipeline_mode<synchronous>, transform_indices = @transform_12, window_bounds = array<i64: 64, 32>}, {pipeline_mode = #tpu.pipeline_mode<synchronous>, transform_indices = @transform_13, window_bounds = array<i64: 32>}, {pipeline_mode = #tpu.pipeline_mode<synchronous>, transform_indices = @transform_14, window_bounds = array<i64: 32, 64>}, {pipeline_mode = #tpu.pipeline_mode<synchronous>, transform_indices = @transform_15, window_bounds = array<i64: 64>}, {pipeline_mode = #tpu.pipeline_mode<synchronous>, transform_indices = @transform_16, window_bounds = array<i64: 64, 1>}, {pipeline_mode = #tpu.pipeline_mode<synchronous>, transform_indices = @transform_17, window_bounds = array<i64: 1>}, {pipeline_mode = #tpu.pipeline_mode<synchronous>, transform_indices = @transform_18, window_bounds = array<i64: 64, 1>}, {pipeline_mode = #tpu.pipeline_mode<synchronous>, transform_indices = @transform_19, window_bounds = array<i64: 1>}, {pipeline_mode = #tpu.pipeline_mode<synchronous>, transform_indices = @transform_20, window_bounds = array<i64: 64, 1>}, {pipeline_mode = #tpu.pipeline_mode<synchronous>, transform_indices = @transform_21, window_bounds = array<i64: 1>}, {transform_indices = @transform_22, window_bounds = array<i64: 4096>}, {transform_indices = @transform_23, window_bounds = array<i64: 4096>}, {transform_indices = @transform_24, window_bounds = array<i64: 4096>}]} {
    %get3A = arith.constant 0 : index
    %get3A_0 = arith.constant 0 : index
    %get3A_1 = vector.load %arg1[%get3A, %get3A_0] : memref<4096x10xf32, #tpu.memory_space<vmem>>, vector<4096x10xf32>
    %get3A_2 = arith.constant 0 : index
    %get3A_3 = arith.constant 0 : index
    %get3A_4 = vector.load %arg5[%get3A_2, %get3A_3] : memref<10x64xf32, #tpu.memory_space<vmem>>, vector<10x64xf32>
    %get3A_5 = arith.constant 0 : index
    %get3A_6 = vector.load %arg6[%get3A_5] : memref<64xf32, #tpu.memory_space<vmem>>, vector<64xf32>
    %get3A_7 = arith.constant 0 : index
    %get3A_8 = arith.constant 0 : index
    %get3A_9 = vector.load %arg7[%get3A_7, %get3A_8] : memref<64x32xf32, #tpu.memory_space<vmem>>, vector<64x32xf32>
    %get3A_10 = arith.constant 0 : index
    %get3A_11 = vector.load %arg8[%get3A_10] : memref<32xf32, #tpu.memory_space<vmem>>, vector<32xf32>
    %get3A_12 = arith.constant 0 : index
    %get3A_13 = arith.constant 0 : index
    %get3A_14 = vector.load %arg9[%get3A_12, %get3A_13] : memref<32x64xf32, #tpu.memory_space<vmem>>, vector<32x64xf32>
    %get3A_15 = arith.constant 0 : index
    %get3A_16 = vector.load %arg10[%get3A_15] : memref<64xf32, #tpu.memory_space<vmem>>, vector<64xf32>
    %dot_general3A = arith.constant dense<0.000000e+00> : vector<4096x64xf32>
    %dot_general3A_17 = tpu.matmul %get3A_1, %get3A_4, %dot_general3A {dimension_numbers = #tpu.dot_dimension_numbers<[1], [0], [0], [1], [0, 0, 1, 1], [], []>, transpose_lhs_hint = false} : vector<4096x10xf32>, vector<10x64xf32>, vector<4096x64xf32> -> vector<4096x64xf32>
    %broadcast_in_dim3A = vector.shape_cast %get3A_6 : vector<64xf32> to vector<1x64xf32>
    %add3A = vector.broadcast %broadcast_in_dim3A : vector<1x64xf32> to vector<4096x64xf32>
    %add3A_18 = arith.addf %dot_general3A_17, %add3A : vector<4096x64xf32>
    %max3A = arith.constant 0.000000e+00 : f32
    %max3A_19 = vector.broadcast %max3A : f32 to vector<4096x64xf32>
    %max3A_20 = arith.maximumf %add3A_18, %max3A_19 : vector<4096x64xf32>
    %dot_general3A_21 = arith.constant dense<0.000000e+00> : vector<4096x32xf32>
    %dot_general3A_22 = tpu.matmul %max3A_20, %get3A_9, %dot_general3A_21 {dimension_numbers = #tpu.dot_dimension_numbers<[1], [0], [0], [1], [0, 0, 1, 1], [], []>, transpose_lhs_hint = false} : vector<4096x64xf32>, vector<64x32xf32>, vector<4096x32xf32> -> vector<4096x32xf32>
    %broadcast_in_dim3A_23 = vector.shape_cast %get3A_11 : vector<32xf32> to vector<1x32xf32>
    %add3A_24 = vector.broadcast %broadcast_in_dim3A_23 : vector<1x32xf32> to vector<4096x32xf32>
    %add3A_25 = arith.addf %dot_general3A_22, %add3A_24 : vector<4096x32xf32>
    %max3A_26 = arith.constant 0.000000e+00 : f32
    %max3A_27 = vector.broadcast %max3A_26 : f32 to vector<4096x32xf32>
    %max3A_28 = arith.maximumf %add3A_25, %max3A_27 : vector<4096x32xf32>
    %dot_general3A_29 = arith.constant dense<0.000000e+00> : vector<4096x64xf32>
    %dot_general3A_30 = tpu.matmul %max3A_28, %get3A_14, %dot_general3A_29 {dimension_numbers = #tpu.dot_dimension_numbers<[1], [0], [0], [1], [0, 0, 1, 1], [], []>, transpose_lhs_hint = false} : vector<4096x32xf32>, vector<32x64xf32>, vector<4096x64xf32> -> vector<4096x64xf32>
    %broadcast_in_dim3A_31 = vector.shape_cast %get3A_16 : vector<64xf32> to vector<1x64xf32>
    %add3A_32 = vector.broadcast %broadcast_in_dim3A_31 : vector<1x64xf32> to vector<4096x64xf32>
    %add3A_33 = arith.addf %dot_general3A_30, %add3A_32 : vector<4096x64xf32>
    %max3A_34 = arith.constant 0.000000e+00 : f32
    %max3A_35 = vector.broadcast %max3A_34 : f32 to vector<4096x64xf32>
    %max3A_36 = arith.maximumf %add3A_33, %max3A_35 : vector<4096x64xf32>
    %get3A_37 = arith.constant 0 : index
    %get3A_38 = arith.constant 0 : index
    %get3A_39 = vector.load %arg2[%get3A_37, %get3A_38] : memref<4096x10xf32, #tpu.memory_space<vmem>>, vector<4096x10xf32>
    %get3A_40 = arith.constant 0 : index
    %get3A_41 = arith.constant 0 : index
    %get3A_42 = vector.load %arg11[%get3A_40, %get3A_41] : memref<10x64xf32, #tpu.memory_space<vmem>>, vector<10x64xf32>
    %get3A_43 = arith.constant 0 : index
    %get3A_44 = vector.load %arg12[%get3A_43] : memref<64xf32, #tpu.memory_space<vmem>>, vector<64xf32>
    %get3A_45 = arith.constant 0 : index
    %get3A_46 = arith.constant 0 : index
    %get3A_47 = vector.load %arg13[%get3A_45, %get3A_46] : memref<64x32xf32, #tpu.memory_space<vmem>>, vector<64x32xf32>
    %get3A_48 = arith.constant 0 : index
    %get3A_49 = vector.load %arg14[%get3A_48] : memref<32xf32, #tpu.memory_space<vmem>>, vector<32xf32>
    %get3A_50 = arith.constant 0 : index
    %get3A_51 = arith.constant 0 : index
    %get3A_52 = vector.load %arg15[%get3A_50, %get3A_51] : memref<32x64xf32, #tpu.memory_space<vmem>>, vector<32x64xf32>
    %get3A_53 = arith.constant 0 : index
    %get3A_54 = vector.load %arg16[%get3A_53] : memref<64xf32, #tpu.memory_space<vmem>>, vector<64xf32>
    %dot_general3A_55 = arith.constant dense<0.000000e+00> : vector<4096x64xf32>
    %dot_general3A_56 = tpu.matmul %get3A_39, %get3A_42, %dot_general3A_55 {dimension_numbers = #tpu.dot_dimension_numbers<[1], [0], [0], [1], [0, 0, 1, 1], [], []>, transpose_lhs_hint = false} : vector<4096x10xf32>, vector<10x64xf32>, vector<4096x64xf32> -> vector<4096x64xf32>
    %broadcast_in_dim3A_57 = vector.shape_cast %get3A_44 : vector<64xf32> to vector<1x64xf32>
    %add3A_58 = vector.broadcast %broadcast_in_dim3A_57 : vector<1x64xf32> to vector<4096x64xf32>
    %add3A_59 = arith.addf %dot_general3A_56, %add3A_58 : vector<4096x64xf32>
    %max3A_60 = arith.constant 0.000000e+00 : f32
    %max3A_61 = vector.broadcast %max3A_60 : f32 to vector<4096x64xf32>
    %max3A_62 = arith.maximumf %add3A_59, %max3A_61 : vector<4096x64xf32>
    %dot_general3A_63 = arith.constant dense<0.000000e+00> : vector<4096x32xf32>
    %dot_general3A_64 = tpu.matmul %max3A_62, %get3A_47, %dot_general3A_63 {dimension_numbers = #tpu.dot_dimension_numbers<[1], [0], [0], [1], [0, 0, 1, 1], [], []>, transpose_lhs_hint = false} : vector<4096x64xf32>, vector<64x32xf32>, vector<4096x32xf32> -> vector<4096x32xf32>
    %broadcast_in_dim3A_65 = vector.shape_cast %get3A_49 : vector<32xf32> to vector<1x32xf32>
    %add3A_66 = vector.broadcast %broadcast_in_dim3A_65 : vector<1x32xf32> to vector<4096x32xf32>
    %add3A_67 = arith.addf %dot_general3A_64, %add3A_66 : vector<4096x32xf32>
    %max3A_68 = arith.constant 0.000000e+00 : f32
    %max3A_69 = vector.broadcast %max3A_68 : f32 to vector<4096x32xf32>
    %max3A_70 = arith.maximumf %add3A_67, %max3A_69 : vector<4096x32xf32>
    %dot_general3A_71 = arith.constant dense<0.000000e+00> : vector<4096x64xf32>
    %dot_general3A_72 = tpu.matmul %max3A_70, %get3A_52, %dot_general3A_71 {dimension_numbers = #tpu.dot_dimension_numbers<[1], [0], [0], [1], [0, 0, 1, 1], [], []>, transpose_lhs_hint = false} : vector<4096x32xf32>, vector<32x64xf32>, vector<4096x64xf32> -> vector<4096x64xf32>
    %broadcast_in_dim3A_73 = vector.shape_cast %get3A_54 : vector<64xf32> to vector<1x64xf32>
    %add3A_74 = vector.broadcast %broadcast_in_dim3A_73 : vector<1x64xf32> to vector<4096x64xf32>
    %add3A_75 = arith.addf %dot_general3A_72, %add3A_74 : vector<4096x64xf32>
    %max3A_76 = arith.constant 0.000000e+00 : f32
    %max3A_77 = vector.broadcast %max3A_76 : f32 to vector<4096x64xf32>
    %max3A_78 = arith.maximumf %add3A_75, %max3A_77 : vector<4096x64xf32>
    %get3A_79 = arith.constant 0 : index
    %get3A_80 = arith.constant 0 : index
    %get3A_81 = vector.load %arg3[%get3A_79, %get3A_80] : memref<4096x128xf32, #tpu.memory_space<vmem>>, vector<4096x64xf32>
    %add3A_82 = arith.addf %get3A_81, %max3A_36 : vector<4096x64xf32>
    %mul3A = arith.mulf %add3A_82, %add3A_82 : vector<4096x64xf32>
    %reduce_sum3A = arith.constant dense<0.000000e+00> : vector<4096xf32>
    %reduce_sum3A_83 = vector.multi_reduction <add>, %mul3A, %reduce_sum3A [1] : vector<4096x64xf32> to vector<4096xf32>
    %broadcast_in_dim3A_84 = vector.shape_cast %reduce_sum3A_83 : vector<4096xf32> to vector<4096x1xf32>
    %max3A_85 = arith.constant 9.99999996E-13 : f32
    %max3A_86 = vector.broadcast %max3A_85 : f32 to vector<4096x1xf32>
    %max3A_87 = arith.maximumf %broadcast_in_dim3A_84, %max3A_86 : vector<4096x1xf32>
    %rsqrt3A = math.rsqrt %max3A_87 : vector<4096x1xf32>
    %mul3A_88 = vector.broadcast %rsqrt3A : vector<4096x1xf32> to vector<4096x64xf32>
    %mul3A_89 = arith.mulf %add3A_82, %mul3A_88 : vector<4096x64xf32>
    %get3A_90 = arith.constant 0 : index
    %get3A_91 = arith.constant 0 : index
    %get3A_92 = vector.load %arg4[%get3A_90, %get3A_91] : memref<4096x128xf32, #tpu.memory_space<vmem>>, vector<4096x64xf32>
    %add3A_93 = arith.addf %get3A_92, %max3A_78 : vector<4096x64xf32>
    %mul3A_94 = arith.mulf %add3A_93, %add3A_93 : vector<4096x64xf32>
    %reduce_sum3A_95 = arith.constant dense<0.000000e+00> : vector<4096xf32>
    %reduce_sum3A_96 = vector.multi_reduction <add>, %mul3A_94, %reduce_sum3A_95 [1] : vector<4096x64xf32> to vector<4096xf32>
    %broadcast_in_dim3A_97 = vector.shape_cast %reduce_sum3A_96 : vector<4096xf32> to vector<4096x1xf32>
    %max3A_98 = arith.constant 9.99999996E-13 : f32
    %max3A_99 = vector.broadcast %max3A_98 : f32 to vector<4096x1xf32>
    %max3A_100 = arith.maximumf %broadcast_in_dim3A_97, %max3A_99 : vector<4096x1xf32>
    %rsqrt3A_101 = math.rsqrt %max3A_100 : vector<4096x1xf32>
    %mul3A_102 = vector.broadcast %rsqrt3A_101 : vector<4096x1xf32> to vector<4096x64xf32>
    %mul3A_103 = arith.mulf %add3A_93, %mul3A_102 : vector<4096x64xf32>
    %mul3A_104 = arith.mulf %mul3A_89, %mul3A_103 : vector<4096x64xf32>
    %get3A_105 = arith.constant 0 : index
    %get3A_106 = arith.constant 0 : index
    %get3A_107 = vector.load %arg17[%get3A_105, %get3A_106] : memref<64x1xf32, #tpu.memory_space<vmem>>, vector<64x1xf32>
    %dot_general3A_108 = arith.constant dense<0.000000e+00> : vector<1x4096xf32>
    %dot_general3A_109 = tpu.matmul %get3A_107, %mul3A_104, %dot_general3A_108 {dimension_numbers = #tpu.dot_dimension_numbers<[0], [1], [1], [0], [0, 1, 1, 0], [], []>, transpose_lhs_hint = false} : vector<64x1xf32>, vector<4096x64xf32>, vector<1x4096xf32> -> vector<1x4096xf32>
    %get3A_110 = arith.constant 0 : index
    %get3A_111 = vector.load %arg18[%get3A_110] : memref<1xf32, #tpu.memory_space<vmem>>, vector<1xf32>
    %broadcast_in_dim3A_112 = vector.shape_cast %get3A_111 : vector<1xf32> to vector<1x1xf32>
    %add3A_113 = vector.broadcast %broadcast_in_dim3A_112 : vector<1x1xf32> to vector<1x4096xf32>
    %add3A_114 = arith.addf %dot_general3A_109, %add3A_113 : vector<1x4096xf32>
    %neg3A = arith.constant 0.000000e+00 : f32
    %neg3A_115 = vector.broadcast %neg3A : f32 to vector<1x4096xf32>
    %neg3A_116 = arith.subf %neg3A_115, %add3A_114 : vector<1x4096xf32>
    %exp3A = math.exp %neg3A_116 : vector<1x4096xf32>
    %add3A_117 = arith.constant 1.000000e+00 : f32
    %add3A_118 = vector.broadcast %add3A_117 : f32 to vector<1x4096xf32>
    %add3A_119 = arith.addf %add3A_118, %exp3A : vector<1x4096xf32>
    %div3A = arith.constant 1.000000e+00 : f32
    %div3A_120 = vector.broadcast %div3A : f32 to vector<1x4096xf32>
    %div3A_121 = arith.divf %div3A_120, %add3A_119 : vector<1x4096xf32>
    %squeeze3A = vector.shape_cast %div3A_121 : vector<1x4096xf32> to vector<4096xf32>
    %swap3A = arith.constant 0 : index
    %swap3A_122 = vector.load %arg23[%swap3A] : memref<4096xf32, #tpu.memory_space<vmem>>, vector<4096xf32>
    tpu.vector_store %arg23[%swap3A], %squeeze3A {strides = array<i32>} : memref<4096xf32, #tpu.memory_space<vmem>>, vector<4096xf32>,
    %get3A_123 = arith.constant 0 : index
    %get3A_124 = arith.constant 0 : index
    %get3A_125 = vector.load %arg19[%get3A_123, %get3A_124] : memref<64x1xf32, #tpu.memory_space<vmem>>, vector<64x1xf32>
    %dot_general3A_126 = arith.constant dense<0.000000e+00> : vector<1x4096xf32>
    %dot_general3A_127 = tpu.matmul %get3A_125, %mul3A_104, %dot_general3A_126 {dimension_numbers = #tpu.dot_dimension_numbers<[0], [1], [1], [0], [0, 1, 1, 0], [], []>, transpose_lhs_hint = false} : vector<64x1xf32>, vector<4096x64xf32>, vector<1x4096xf32> -> vector<1x4096xf32>
    %get3A_128 = arith.constant 0 : index
    %get3A_129 = vector.load %arg20[%get3A_128] : memref<1xf32, #tpu.memory_space<vmem>>, vector<1xf32>
    %broadcast_in_dim3A_130 = vector.shape_cast %get3A_129 : vector<1xf32> to vector<1x1xf32>
    %add3A_131 = vector.broadcast %broadcast_in_dim3A_130 : vector<1x1xf32> to vector<1x4096xf32>
    %add3A_132 = arith.addf %dot_general3A_127, %add3A_131 : vector<1x4096xf32>
    %neg3A_133 = arith.constant 0.000000e+00 : f32
    %neg3A_134 = vector.broadcast %neg3A_133 : f32 to vector<1x4096xf32>
    %neg3A_135 = arith.subf %neg3A_134, %add3A_132 : vector<1x4096xf32>
    %exp3A_136 = math.exp %neg3A_135 : vector<1x4096xf32>
    %add3A_137 = arith.constant 1.000000e+00 : f32
    %add3A_138 = vector.broadcast %add3A_137 : f32 to vector<1x4096xf32>
    %add3A_139 = arith.addf %add3A_138, %exp3A_136 : vector<1x4096xf32>
    %div3A_140 = arith.constant 1.000000e+00 : f32
    %div3A_141 = vector.broadcast %div3A_140 : f32 to vector<1x4096xf32>
    %div3A_142 = arith.divf %div3A_141, %add3A_139 : vector<1x4096xf32>
    %squeeze3A_143 = vector.shape_cast %div3A_142 : vector<1x4096xf32> to vector<4096xf32>
    %swap3A_144 = arith.constant 0 : index
    %swap3A_145 = vector.load %arg24[%swap3A_144] : memref<4096xf32, #tpu.memory_space<vmem>>, vector<4096xf32>
    tpu.vector_store %arg24[%swap3A_144], %squeeze3A_143 {strides = array<i32>} : memref<4096xf32, #tpu.memory_space<vmem>>, vector<4096xf32>,
    %get3A_146 = arith.constant 0 : index
    %get3A_147 = arith.constant 0 : index
    %get3A_148 = vector.load %arg21[%get3A_146, %get3A_147] : memref<64x1xf32, #tpu.memory_space<vmem>>, vector<64x1xf32>
    %dot_general3A_149 = arith.constant dense<0.000000e+00> : vector<1x4096xf32>
    %dot_general3A_150 = tpu.matmul %get3A_148, %mul3A_104, %dot_general3A_149 {dimension_numbers = #tpu.dot_dimension_numbers<[0], [1], [1], [0], [0, 1, 1, 0], [], []>, transpose_lhs_hint = false} : vector<64x1xf32>, vector<4096x64xf32>, vector<1x4096xf32> -> vector<1x4096xf32>
    %get3A_151 = arith.constant 0 : index
    %get3A_152 = vector.load %arg22[%get3A_151] : memref<1xf32, #tpu.memory_space<vmem>>, vector<1xf32>
    %broadcast_in_dim3A_153 = vector.shape_cast %get3A_152 : vector<1xf32> to vector<1x1xf32>
    %add3A_154 = vector.broadcast %broadcast_in_dim3A_153 : vector<1x1xf32> to vector<1x4096xf32>
    %add3A_155 = arith.addf %dot_general3A_150, %add3A_154 : vector<1x4096xf32>
    %neg3A_156 = arith.constant 0.000000e+00 : f32
    %neg3A_157 = vector.broadcast %neg3A_156 : f32 to vector<1x4096xf32>
    %neg3A_158 = arith.subf %neg3A_157, %add3A_155 : vector<1x4096xf32>
    %exp3A_159 = math.exp %neg3A_158 : vector<1x4096xf32>
    %add3A_160 = arith.constant 1.000000e+00 : f32
    %add3A_161 = vector.broadcast %add3A_160 : f32 to vector<1x4096xf32>
    %add3A_162 = arith.addf %add3A_161, %exp3A_159 : vector<1x4096xf32>
    %div3A_163 = arith.constant 1.000000e+00 : f32
    %div3A_164 = vector.broadcast %div3A_163 : f32 to vector<1x4096xf32>
    %div3A_165 = arith.divf %div3A_164, %add3A_162 : vector<1x4096xf32>
    %squeeze3A_166 = vector.shape_cast %div3A_165 : vector<1x4096xf32> to vector<4096xf32>
    %swap3A_167 = arith.constant 0 : index
    %swap3A_168 = vector.load %arg25[%swap3A_167] : memref<4096xf32, #tpu.memory_space<vmem>>, vector<4096xf32>
    tpu.vector_store %arg25[%swap3A_167], %squeeze3A_166 {strides = array<i32>} : memref<4096xf32, #tpu.memory_space<vmem>>, vector<4096xf32>,
    return
  }
  func.func @transform_0(%arg0: i32) -> (i32, i32) {
    %c0_i32 = arith.constant 0 : i32
    %c0_i32_0 = arith.constant 0 : i32
    return %arg0, %c0_i32 : i32, i32
  }
  func.func @transform_1(%arg0: i32) -> (i32, i32) {
    %c0_i32 = arith.constant 0 : i32
    %c0_i32_0 = arith.constant 0 : i32
    return %arg0, %c0_i32 : i32, i32
  }
  func.func @transform_2(%arg0: i32) -> (i32, i32) {
    %c0_i32 = arith.constant 0 : i32
    %c0_i32_0 = arith.constant 0 : i32
    return %arg0, %c0_i32 : i32, i32
  }
  func.func @transform_3(%arg0: i32) -> (i32, i32) {
    %c0_i32 = arith.constant 0 : i32
    %c0_i32_0 = arith.constant 0 : i32
    return %arg0, %c0_i32 : i32, i32
  }
  func.func @transform_4(%arg0: i32) -> (i32, i32) {
    %c0_i32 = arith.constant 0 : i32
    %c0_i32_0 = arith.constant 0 : i32
    %c0_i32_1 = arith.constant 0 : i32
    return %c0_i32, %c0_i32_0 : i32, i32
  }
  func.func @transform_5(%arg0: i32) -> i32 {
    %c0_i32 = arith.constant 0 : i32
    %c0_i32_0 = arith.constant 0 : i32
    return %c0_i32 : i32
  }
  func.func @transform_6(%arg0: i32) -> (i32, i32) {
    %c0_i32 = arith.constant 0 : i32
    %c0_i32_0 = arith.constant 0 : i32
    %c0_i32_1 = arith.constant 0 : i32
    return %c0_i32, %c0_i32_0 : i32, i32
  }
  func.func @transform_7(%arg0: i32) -> i32 {
    %c0_i32 = arith.constant 0 : i32
    %c0_i32_0 = arith.constant 0 : i32
    return %c0_i32 : i32
  }
  func.func @transform_8(%arg0: i32) -> (i32, i32) {
    %c0_i32 = arith.constant 0 : i32
    %c0_i32_0 = arith.constant 0 : i32
    %c0_i32_1 = arith.constant 0 : i32
    return %c0_i32, %c0_i32_0 : i32, i32
  }
  func.func @transform_9(%arg0: i32) -> i32 {
    %c0_i32 = arith.constant 0 : i32
    %c0_i32_0 = arith.constant 0 : i32
    return %c0_i32 : i32
  }
  func.func @transform_10(%arg0: i32) -> (i32, i32) {
    %c0_i32 = arith.constant 0 : i32
    %c0_i32_0 = arith.constant 0 : i32
    %c0_i32_1 = arith.constant 0 : i32
    return %c0_i32, %c0_i32_0 : i32, i32
  }
  func.func @transform_11(%arg0: i32) -> i32 {
    %c0_i32 = arith.constant 0 : i32
    %c0_i32_0 = arith.constant 0 : i32
    return %c0_i32 : i32
  }
  func.func @transform_12(%arg0: i32) -> (i32, i32) {
    %c0_i32 = arith.constant 0 : i32
    %c0_i32_0 = arith.constant 0 : i32
    %c0_i32_1 = arith.constant 0 : i32
    return %c0_i32, %c0_i32_0 : i32, i32
  }
  func.func @transform_13(%arg0: i32) -> i32 {
    %c0_i32 = arith.constant 0 : i32
    %c0_i32_0 = arith.constant 0 : i32
    return %c0_i32 : i32
  }
  func.func @transform_14(%arg0: i32) -> (i32, i32) {
    %c0_i32 = arith.constant 0 : i32
    %c0_i32_0 = arith.constant 0 : i32
    %c0_i32_1 = arith.constant 0 : i32
    return %c0_i32, %c0_i32_0 : i32, i32
  }
  func.func @transform_15(%arg0: i32) -> i32 {
    %c0_i32 = arith.constant 0 : i32
    %c0_i32_0 = arith.constant 0 : i32
    return %c0_i32 : i32
  }
  func.func @transform_16(%arg0: i32) -> (i32, i32) {
    %c0_i32 = arith.constant 0 : i32
    %c0_i32_0 = arith.constant 0 : i32
    %c0_i32_1 = arith.constant 0 : i32
    return %c0_i32, %c0_i32_0 : i32, i32
  }
  func.func @transform_17(%arg0: i32) -> i32 {
    %c0_i32 = arith.constant 0 : i32
    %c0_i32_0 = arith.constant 0 : i32
    return %c0_i32 : i32
  }
  func.func @transform_18(%arg0: i32) -> (i32, i32) {
    %c0_i32 = arith.constant 0 : i32
    %c0_i32_0 = arith.constant 0 : i32
    %c0_i32_1 = arith.constant 0 : i32
    return %c0_i32, %c0_i32_0 : i32, i32
  }
  func.func @transform_19(%arg0: i32) -> i32 {
    %c0_i32 = arith.constant 0 : i32
    %c0_i32_0 = arith.constant 0 : i32
    return %c0_i32 : i32
  }
  func.func @transform_20(%arg0: i32) -> (i32, i32) {
    %c0_i32 = arith.constant 0 : i32
    %c0_i32_0 = arith.constant 0 : i32
    %c0_i32_1 = arith.constant 0 : i32
    return %c0_i32, %c0_i32_0 : i32, i32
  }
  func.func @transform_21(%arg0: i32) -> i32 {
    %c0_i32 = arith.constant 0 : i32
    %c0_i32_0 = arith.constant 0 : i32
    return %c0_i32 : i32
  }
  func.func @transform_22(%arg0: i32) -> i32 {
    %c0_i32 = arith.constant 0 : i32
    return %arg0 : i32
  }
  func.func @transform_23(%arg0: i32) -> i32 {
    %c0_i32 = arith.constant 0 : i32
    return %arg0 : i32
  }
  func.func @transform_24(%arg0: i32) -> i32 {
    %c0_i32 = arith.constant 0 : i32
    return %arg0 : i32
  }
}

</mosaic_0001>

<sc_bundles>
// kernel: kernel.4.cloned.1.call-start
scs
__scs_entry_jumppad:
0x0: {  	(pc) =	sbr.rel $0x88, $3  }
0x1: {  	(tag) =	ssettag $0x0;
	lr =	simm.s32 $0x1  }
0x2: {  	[smem:$0x3F89] =	sst lr;
	_ =	strace $0xD0000000  }
0x3: {  	_ = 	snop  }
0x4: {  	_ = 	snop  }
0x5: {  	_ = 	snop  }
0x6: {  	_ = 	snop  }
0x7: {  	_ = 	snop  }
__scs_overlays_trampoline_lowered:
0x8: {  	[smem:$0x3F98] =	sst s0  }
0x9: {  	[smem:$0x3F99] =	sst s1  }
0xa: {  	[smem:$0x3F9A] =	sst s2  }
0xb: {  	[smem:$0x3F9B] =	sst s3  }
0xc: {  	[smem:$0x3F9C] =	sst s4  }
0xd: {  	[smem:$0x3F9D] =	sst s5  }
0xe: {  	[smem:$0x3F9E] =	sst s6  }
0xf: {  	[smem:$0x3F9F] =	sst s7  }
0x10: {  	[smem:$0x3FA0] =	sst s8  }
0x11: {  	[smem:$0x3FA1] =	sst s9;
	s0 =	simm.s32 @!p0 $0x0  }
0x12: {  	s1 =	sld [smem:$0x3F87];
	s0 =	simm.s32 @p0 $0x1  }
0x13: {  	[smem:$0x3FA2] =	sst s0;
	s0 =	simm.s32 @!p1 $0x0  }
0x14: {  	s2 =	sld [smem:$0x3F86];
	s0 =	simm.s32 @p1 $0x1  }
0x15: {  	[smem:$0x3FA3] =	sst s0;
	s0 =	simm.s32 @!p2 $0x0  }
0x16: {  	s3 =	sld [smem:$0x3FDB];
	s0 =	simm.s32 @p2 $0x1  }
0x17: {  	s4 =	simm.s32 $0x1BF5;
	[smem:$0x3FA5] =	sst s0  }
0x18: {  	s0 =	sld [smem:$0x3F88];
	_ =	swait.ge [sflag:s4], $0x0  }
0x19: {  	s7 =	sld [smem:$0x3F89]  }
0x1a: {  	s8 =	sadd.s32 $0xFFFFE003, lr  }
0x1b: {  	s9 =	sadd.s32 $0xFFFFFEF7, lr;
	s5 =	simm.s32 $0xFFFFFFFF;
	p2 =	slt.u32 s8, $0xFFFFF086  }
0x1c: {  	p1 =	slt.u32 s9, $0xF7A;
	s5 =	simm.s32 @!p2 $0x0  }
0x1d: {  	s5 =	simm.s32 @p1 $0x1;
	p0 =	seq.s32 s7, s2  }
0x1e: {  	s7 =	smul.u32 @!p0 $0xF7A, s2;
	p2 =	seq.s32 @!p0 s5, $0x0  }
0x1f: {  	s9 =	smul.u32 $0xF7A, s1;
	s8 =	simm.s32 @!p0 $0x1BF5;
	p2 =	por !p2, p0  }
0x20: {  	[sflag:s8] =	ssyncset.s32 @!p0 $0xFFFFF086;
	s6 =	sadd.s32 @!p0 s3, s7;
	s7 =	simm.s32 @!p0 $0x108  }
0x21: {  	s3 =	sadd.s32 s3, s9;
	s6 =	sadd.s32 @!p0 $0x88, s6;
	s7 =	simm.s32 @p2 $0x1082  }
0x22: {  	[simem:s7], [sflag:s8] =	dma.local @!p0 [hbm:s6], $0xF7A  }
0x23: {  	s9 =	sor.u32 $0xD0000000, s2;
	s6 =	simm.s32 $0x108;
	_ =	swait.ge @!p0 [sflag:s8], $0x0  }
0x24: {  	s3 =	sadd.s32 $0x88, s3;
	s6 =	simm.s32 @!p1 $0x1082;
	[sflag:s4] =	ssyncset.s32 $0xFFFFF086  }
0x25: {  	[simem:s6], [sflag:s4] =	dma.local [hbm:s3], $0xF7A  }
0x26: {  	[smem:$0x3F89] =	sst s1;
	(tag) =	ssettag s2;
	_ =	strace s9  }
0x27: {  	s1 =	sld [smem:$0x3F99]  }
0x28: {  	s2 =	sld [smem:$0x3F9A]  }
0x29: {  	s4 =	sld [smem:$0x3F9C]  }
0x2a: {  	p0 =	seq.s32 s5, $0x0;
	s5 =	sld [smem:$0x3F9D]  }
0x2b: {  	s6 =	sld [smem:$0x3F9E]  }
0x2c: {  	s7 =	sld [smem:$0x3F9F]  }
0x2d: {  	s3 =	simm.s32 $0x108;
	s8 =	sld [smem:$0x3FA0]  }
0x2e: {  	s3 =	simm.s32 @!p0 $0x1082;
	s9 =	sld [smem:$0x3FA1]  }
0x2f: {  	lr =	sadd.s32 s0, s3;
	s0 =	sld [smem:$0x3F98]  }
0x30: {  	s3 =	sld [smem:$0x3F9B]  }
0x31: {  	[smem:$0x3FA4] =	sst s10  }
0x32: {  	s10 =	sld [smem:$0x3FA2];
	_ =	sdelay $0x3  }
0x33: {  	p0 =	seq.s32 s10, $0x1;
	s10 =	sld [smem:$0x3FA4];
	_ =	sdelay $0x3  }
0x34: {  	[smem:$0x3FA4] =	sst s10  }
0x35: {  	s10 =	sld [smem:$0x3FA3];
	_ =	sdelay $0x3  }
0x36: {  	p1 =	seq.s32 s10, $0x1;
	s10 =	sld [smem:$0x3FA4];
	_ =	sdelay $0x3  }
0x37: {  	[smem:$0x3FA4] =	sst s10  }
0x38: {  	s10 =	sld [smem:$0x3FA5]  }
0x39: {  	_ = 	snop;
	(pc) =	sbr.ind lr, $3  }
0x3a: {  	_ = 	snop  }
0x3b: {  	_ = 	snop  }
0x3c: {  	p2 =	seq.s32 s10, $0x1;
	s10 =	sld [smem:$0x3FA4]  }
0x3d: {  	_ =	shalt  }
0x3e: {  	_ =	shalt  }
0x3f: {  	_ =	shalt  }
0x40: {  	_ =	shalt  }
0x41: {  	_ =	shalt  }
0x42: {  	_ =	shalt  }
0x43: {  	_ =	shalt  }
0x44: {  	_ =	shalt  }
0x45: {  	_ =	shalt  }
0x46: {  	_ =	shalt  }
0x47: {  	_ =	shalt  }
0x48: {  	_ =	shalt  }
0x49: {  	_ =	shalt  }
0x4a: {  	_ =	shalt  }
0x4b: {  	_ =	shalt  }
0x4c: {  	_ =	shalt  }
0x4d: {  	_ =	shalt  }
0x4e: {  	_ =	shalt  }
0x4f: {  	_ =	shalt  }
0x50: {  	_ =	shalt  }
0x51: {  	_ =	shalt  }
0x52: {  	_ =	shalt  }
0x53: {  	_ =	shalt  }
0x54: {  	_ =	shalt  }
0x55: {  	_ =	shalt  }
0x56: {  	_ =	shalt  }
0x57: {  	_ =	shalt  }
0x58: {  	_ =	shalt  }
0x59: {  	_ =	shalt  }
0x5a: {  	_ =	shalt  }
0x5b: {  	_ =	shalt  }
0x5c: {  	_ =	shalt  }
0x5d: {  	_ =	shalt  }
0x5e: {  	_ =	shalt  }
0x5f: {  	_ =	shalt  }
0x60: {  	_ =	shalt  }
0x61: {  	_ =	shalt  }
0x62: {  	_ =	shalt  }
0x63: {  	_ =	shalt  }
0x64: {  	_ =	shalt  }
0x65: {  	_ =	shalt  }
0x66: {  	_ =	shalt  }
0x67: {  	_ =	shalt  }
0x68: {  	_ =	shalt  }
0x69: {  	_ =	shalt  }
0x6a: {  	_ =	shalt  }
0x6b: {  	_ =	shalt  }
0x6c: {  	_ =	shalt  }
0x6d: {  	_ =	shalt  }
0x6e: {  	_ =	shalt  }
0x6f: {  	_ =	shalt  }
0x70: {  	_ =	shalt  }
0x71: {  	_ =	shalt  }
0x72: {  	_ =	shalt  }
0x73: {  	_ =	shalt  }
0x74: {  	_ =	shalt  }
0x75: {  	_ =	shalt  }
0x76: {  	_ =	shalt  }
0x77: {  	_ =	shalt  }
0x78: {  	_ =	shalt  }
0x79: {  	_ =	shalt  }
0x7a: {  	_ =	shalt  }
0x7b: {  	_ =	shalt  }
0x7c: {  	_ =	shalt  }
0x7d: {  	_ =	shalt  }
0x7e: {  	_ =	shalt  }
0x7f: {  	_ =	shalt  }
0x80: {  	_ =	shalt  }
0x81: {  	_ =	shalt  }
0x82: {  	_ =	shalt  }
0x83: {  	_ =	shalt  }
0x84: {  	_ =	shalt  }
0x85: {  	_ =	shalt  }
0x86: {  	_ =	shalt  }
0x87: {  	_ =	shalt  }
.Lfunc_end0:
.L_simem_size_0:
called_computation_lowered:
.L_overlay_start_0:
0x88: {  	s2 =	sld [smem:$0x3FD9]  }
0x89: {  	s3 =	sld [smem:$0x3FFE];
	_ =	sdelay $0x1  }
0x8a: {  	s1 =	srdreg.scid  }
0x8b: {  	s0 =	sand.u32 $0x1, s1  }
0x8c: {  	s17 =	sshll.u32 s0, $0xA;
	s2 =	sadd.s32 s3, s2  }
0x8d: {  	s2 =	sadd.s32 s2, s17  }
0x8e: {  	[smem:$0x3FB0] =	sst s2  }
0x8f: {  	_ = 	snop  }
0x90: {  	s2 =	sld [smem:$0x3FC9]  }
0x91: {  	s18 =	sld [smem:$0x3FC8];
	(tm) =	ssettm $0x1  }
0x92: {  	s4 =	sld [smem:$0x3FFB];
	_ =	sdelay $0x3  }
0x93: {  	_ =	strace s4  }
0x94: {  	s4 =	sld [smem:$0x3FFC];
	_ =	sdelay $0x3  }
0x95: {  	_ =	strace s4  }
0x96: {  	s4 =	sld [smem:$0x3FFD];
	_ =	sdelay $0x3  }
0x97: {  	_ =	strace s4  }
0x98: {  	_ =	strace $0x8FFFFFFF  }
0x99: {  	s19 =	sld [smem:$0x3FDB];
	_ =	sdelay $0x1  }
0x9a: {  	s5 =	simm.s32 $_scs_section_size  }
0x9b: {  	s6 =	simm.s32 $_size__tile_overlayer_lowered;
	s7 =	simm.s32 $_tile_overlayer_lowered  }
0x9c: {  	s22 =	simm.s32 $0x1BFF;
	s21 =	sshll.u32 s7, $0x1;
	s4 =	sadd.s32 s5, s19  }
0x9d: {  	s8 =	simm.s32 $0x0;
	s20 =	sshll.u32 s6, $0x1;
	s6 =	sadd.s32 s21, s4  }
0x9e: {  	[timem:s8], [sflag:s22] =	dma.local [hbm:s6], s20  }
0x9f: {  	_ =	swait.ge [sflag:s22], s20  }
0xa0: {  	s5 =	ssub.s32 $0x0, s20;
	[sflag:s22] =	ssyncset.done $0x0  }
0xa1: {  	[sflag:s22] =	ssyncadd.s32 s5;
	_ =	sdelay $0x1  }
0xa2: {  	s23 =	simm.s32 $0x1B8B  }
0xa3: {  	_ =	swait.ge [sflag:s23], $0x1  }
0xa4: {  	[sflag:s23] =	ssyncset.done $0x0  }
0xa5: {  	s25 =	simm.s32 $0x1B8E;
	s24 =	sld [smem:$0x3FFE];
	[sflag:s23] =	ssyncadd.s32 $0xFFFFFFFF  }
0xa6: {  	s26 =	simm.s32 $execute0_lowered;
	[smem:$0x3FD2] =	sst s25  }
0xa7: {  	s6 =	sshll.u32 s26, $0x1;
	_ =	strace $0x80000046;
	[dreg:$0x1] =	wrdreg $0xFFFFFFFF  }
0xa8: {  	s28 =	simm.s32 $_size_execute0_lowered;
	s4 =	sadd.s32 s4, s6;
	[dreg:$0x0] =	wrdreg $0x0  }
0xa9: {  	s6 =	sshll.u32 s28, $0x1;
	[dreg:$0x2] =	wrdreg s4  }
0xaa: {  	[dreg:$0x3] =	wrdreg s6  }
0xab: {  	[dreg:$0x4] =	wrdreg $0xC0  }
0xac: {  	_ =	task [dreg:s8], $0x5FFFF  }
0xad: {  	[dreg:$0x1] =	wrdreg $0xFFFFFFFF  }
0xae: {  	[dreg:$0x0] =	wrdreg $0x60  }
0xaf: {  	[dreg:$0x2] =	wrdreg s24  }
0xb0: {  	[dreg:$0x3] =	wrdreg s2  }
0xb1: {  	[dreg:$0x4] =	wrdreg s18  }
0xb2: {  	[dreg:$0x5] =	wrdreg $0x9  }
0xb3: {  	_ =	task.clear_ibuf [dreg:s8], $0x6FFFF;
	_ =	strace $0x90000046  }
0xb4: {  	s29 =	simm.s32 $0x9;
	_ =	strace $0x80000048  }
0xb5: {  	_ =	swait.ge [sflag:s29], $0x1  }
0xb6: {  	[sflag:s29] =	ssyncadd.s32 $0xFFFFFFFF  }
0xb7: {  	_ =	strace $0x90000048  }
0xb8: {  	_ =	sfence  }
0xb9: {  	s30 =	sld [smem:$0x0];
	_ =	sdelay $0x2  }
0xba: {  	s31 =	sshll.u32 s1, $0xD;
	s1 =	sshrl.u32 s1, $0x2  }
0xbb: {  	s3 =	sand.u32 $0x4000, s31;
	s1 =	sadd.s32 s1, s30  }
0xbc: {  	s0 =	sor.u32 s3, s0;
	s1 =	sshll.u32 s1, $0x11  }
0xbd: {  	s0 =	sor.u32 s1, s0  }
0xbe: {  	s0 =	sadd.s32 $0x8F2B, s0  }
0xbf: {  	[sflag:s0] =	ssyncadd.remote.s32 $0x1  }
0xc0: {  	_ =	sfence.sel $0xFFFF  }
0xc1: {  	[dreg:$0x0] =	wrdreg $0xFFFFFFFF;
	(pc) =	sbr.abs _section_cstart, $3  }
0xc2: {  	[dreg:$0x1] =	wrdreg $0xFFFFFFFF  }
0xc3: {  	_ =	task.clear_ibuf [dreg:s8], $0x2FFFF;
	_ =	strace $0x9FFFFFFF  }
0xc4: {  	(tm) =	ssettm $0x7FFFFFFF  }
0xc5: {  	_ =	shalt  }
tec
execute0_lowered:
.L_overlay_start_1:
0x0: {  	(tag) =	ssettag $0x1  }
0x1: {  	s0 =	rddreg [dreg:$0x0];
	s1 =	srdreg.scid  }
0x2: {  	s3 =	rddreg [dreg:$0x1];
	s2 =	stileid.u32  }
0x3: {  	s4 =	rddreg [dreg:$0x2];
	s28 =	simm.s32 $0xD;
	s25 =	simm.s32 $0x200  }
0x4: {  	s29 =	simm.s32 $0x100;
	s30 =	simm.s32 $0x180;
	s31 =	simm.s32 $0x280  }
0x5: {  	s26 =	simm.s32 $0x300;
	s24 =	simm.s32 $0x380;
	s23 =	simm.s32 $0x3  }
0x6: {  	s22 =	simm.s32 $0x4;
	p0 =	por $0x0, $0x0;
	s1 =	sand.u32 $0x1, s1  }
0x7: {  	s5 =	sshll.u32 s2, $0xA;
	s2 =	simm.s32 $0x0;
	s7 =	sadd.s32 $0xAA00, s0  }
0x8: {  	s9 =	sadd.s32 $0x4AA00, s0;
	s19 =	sadd.s32 $0x2A00, s0;
	s6 =	sshll.u32 s1, $0x9  }
0x9: {  	[smem:$0x7FF] =	sst s2;
	s1 =	ssub.s32 $0x2, s1;
	s5 =	sor.u32 s6, s5  }
0xa: {  	_ =	strace $0x80000047;
	s17 =	sshrl.u32 s1, $0x1;
	s6 =	sshrl.u32 s5, $0x3  }
0xb: {  	s1 =	ssub.s32 s1, s17;
	s17 =	simm.s32 $0x8400;
	s3 =	sadd.s32 s3, s6  }
0xc: {  	s4 =	sadd.s32 s4, s6;
	s6 =	sshll.u32 s5, $0x4;
	[dreg:$0x4] =	wrdreg s3  }
0xd: {  	s21 =	smax.u32 s1, $0x1;
	[dreg:$0x5] =	wrdreg s4;
	s10 =	sadd.s32 s7, s6  }
0xe: {  	s5 =	sor.u32 $0x800, s6;
	s12 =	sor.u32 $0x1000, s6;
	s8 =	sor.u32 $0x1800, s6  }
0xf: {  	s15 =	sadd.s32 s9, s6;
	s6 =	simm.s32 $0x400;
	s3 =	simm.s32 $0x7  }
0x10: {  	s4 =	simm.s32 $0x8;
	p1 =	sne.s32 s21, $0x1;
	[dreg:$0x6] =	wrdreg s10  }
0x11: {  	s1 =	sadd.s32 $0xFFFFFFFF, s21;
	s21 =	simm.s32 $0x5;
	[dreg:$0xa] =	wrdreg s15  }
0x12: {  	s11 =	sadd.s32 s7, s5;
	s15 =	sadd.s32 $0x6A00, s0;
	s0 =	rddreg [dreg:$0x4]  }
0x13: {  	s13 =	sadd.s32 s7, s12;
	s14 =	sadd.s32 s7, s8;
	[dreg:$0x7] =	wrdreg s11  }
0x14: {  	s16 =	sadd.s32 s9, s5;
	s18 =	sadd.s32 s9, s12;
	[dreg:$0x8] =	wrdreg s13  }
0x15: {  	s20 =	sadd.s32 s9, s8;
	s5 =	simm.s32 $0x4400;
	[dreg:$0x9] =	wrdreg s14  }
.Ltmp0:
0x16: {  	s12 =	simm.s32 $0x14400;
	[dreg:$0xb] =	wrdreg s16;
	(pc) =	sbr.rel @!p1 .LBB2_3-.Ltmp0, $4  }
0x17: {  	s9 =	simm.s32 $0x1;
	s7 =	simm.s32 $0x2;
	[dreg:$0xc] =	wrdreg s18  }
0x18: {  	s10 =	simm.s32 $0xB;
	s8 =	simm.s32 $0xC;
	[dreg:$0xd] =	wrdreg s20  }
0x19: {  	s18 =	simm.s32 $0x80;
	s16 =	simm.s32 $0xC400;
	s14 =	simm.s32 $0x10400  }
0x1a: {  	s20 =	simm.s32 $0x6;
	s13 =	simm.s32 $0x9;
	s11 =	simm.s32 $0xA  }
0x1b: {  	[tilespmem:s2], [sflag:$0xD] =	stream.linear.gather [hbm4b:s0+s2], $0x200, $0x38;
	[tilespmem:$0x18400] =	vst v63  }
0x1c: {  	_ =	swait.ge [sflag:s28], $0x200  }
0x1d: {  	[sflag:s28] =	ssyncset.done $0x0  }
0x1e: {  	s0 =	rddreg [dreg:$0x5];
	[sflag:s28] =	ssyncadd.s32 $0xFFFFFE00  }
0x1f: {  	[tilespmem:s25], [sflag:$0xD] =	stream.linear.gather [hbm4b:s0+s2], $0x200, $0x38;
	[tilespmem:$0x18400] =	vst v63  }
0x20: {  	_ =	swait.ge [sflag:s28], $0x200  }
0x21: {  	[sflag:s28] =	ssyncset.done $0x0  }
0x22: {  	[sflag:s28] =	ssyncadd.s32 $0xFFFFFE00  }
0x23: {  	[tilespmem:s6], [sflag:$0x1] =	stream.indirect.gather [hbm4b:s19+s18], $0x80, s2, s18, $0xb8;
	[tilespmem:$0x18400] =	vst v63  }
0x24: {  	_ = 	snop  }
0x25: {  	[tilespmem:s5], [sflag:$0x2] =	stream.indirect.gather [hbm4b:s19+s18], $0x80, s18, s18, $0xb8;
	[tilespmem:$0x18400] =	vst v63  }
0x26: {  	_ = 	snop  }
0x27: {  	[tilespmem:s17], [sflag:$0x3] =	stream.indirect.gather [hbm4b:s19+s18], $0x80, s29, s18, $0xb8;
	[tilespmem:$0x18400] =	vst v63  }
0x28: {  	_ = 	snop  }
0x29: {  	[tilespmem:s16], [sflag:$0x4] =	stream.indirect.gather [hbm4b:s19+s18], $0x80, s30, s18, $0xb8;
	[tilespmem:$0x18400] =	vst v63  }
0x2a: {  	_ = 	snop  }
0x2b: {  	[tilespmem:s14], [sflag:$0x5] =	stream.indirect.gather [hbm4b:s15+s18], $0x80, s25, s18, $0xb8;
	[tilespmem:$0x18400] =	vst v63  }
0x2c: {  	_ = 	snop  }
0x2d: {  	[tilespmem:s12], [sflag:$0x6] =	stream.indirect.gather [hbm4b:s15+s18], $0x80, s31, s18, $0xb8;
	[tilespmem:$0x18400] =	vst v63  }
0x2e: {  	_ =	swait.ge [sflag:s9], $0x4000  }
0x2f: {  	[sflag:s9] =	ssyncset.done $0x0  }
0x30: {  	s0 =	rddreg [dreg:$0x6];
	[sflag:s9] =	ssyncadd.s32 $0xFFFFC000  }
0x31: {  	[hbm4b:s0+s2] =	stream.linear.scatter [tilespmem:s6], [sflag:$0x7], $0x4000, $0x38;
	[tilespmem:$0x18400] =	vst v63  }
0x32: {  	_ =	swait.ge [sflag:s3], $0x4000  }
0x33: {  	[sflag:s3] =	ssyncset.done $0x0  }
0x34: {  	[sflag:s3] =	ssyncadd.s32 $0xFFFFC000  }
0x35: {  	[tilespmem:s6], [sflag:$0x1] =	stream.indirect.gather [hbm4b:s15+s18], $0x80, s26, s18, $0xb8;
	[tilespmem:$0x18400] =	vst v63  }
0x36: {  	_ =	swait.ge [sflag:s7], $0x4000  }
0x37: {  	[sflag:s7] =	ssyncset.done $0x0  }
0x38: {  	s0 =	rddreg [dreg:$0x7];
	[sflag:s7] =	ssyncadd.s32 $0xFFFFC000  }
0x39: {  	[hbm4b:s0+s2] =	stream.linear.scatter [tilespmem:s5], [sflag:$0x8], $0x4000, $0x38;
	[tilespmem:$0x18400] =	vst v63  }
0x3a: {  	_ =	swait.ge [sflag:s4], $0x4000  }
0x3b: {  	[sflag:s4] =	ssyncset.done $0x0  }
0x3c: {  	[sflag:s4] =	ssyncadd.s32 $0xFFFFC000  }
0x3d: {  	[tilespmem:s5], [sflag:$0x2] =	stream.indirect.gather [hbm4b:s15+s18], $0x80, s24, s18, $0xb8;
	[tilespmem:$0x18400] =	vst v63  }
0x3e: {  	_ =	swait.ge [sflag:s23], $0x4000  }
0x3f: {  	[sflag:s23] =	ssyncset.done $0x0  }
0x40: {  	s0 =	rddreg [dreg:$0x8];
	[sflag:s23] =	ssyncadd.s32 $0xFFFFC000  }
0x41: {  	[hbm4b:s0+s2] =	stream.linear.scatter [tilespmem:s17], [sflag:$0x9], $0x4000, $0x38;
	[tilespmem:$0x18400] =	vst v63  }
0x42: {  	_ =	swait.ge [sflag:s22], $0x4000  }
0x43: {  	[sflag:s22] =	ssyncset.done $0x0  }
0x44: {  	s0 =	rddreg [dreg:$0x9];
	[sflag:s22] =	ssyncadd.s32 $0xFFFFC000  }
0x45: {  	[hbm4b:s0+s2] =	stream.linear.scatter [tilespmem:s16], [sflag:$0xA], $0x4000, $0x38;
	[tilespmem:$0x18400] =	vst v63  }
0x46: {  	_ =	swait.ge [sflag:s21], $0x4000  }
0x47: {  	[sflag:s21] =	ssyncset.done $0x0  }
0x48: {  	s0 =	rddreg [dreg:$0xa];
	[sflag:s21] =	ssyncadd.s32 $0xFFFFC000  }
0x49: {  	[hbm4b:s0+s2] =	stream.linear.scatter [tilespmem:s14], [sflag:$0xB], $0x4000, $0x38;
	[tilespmem:$0x18400] =	vst v63  }
0x4a: {  	_ =	swait.ge [sflag:s20], $0x4000  }
0x4b: {  	[sflag:s20] =	ssyncset.done $0x0  }
0x4c: {  	s0 =	rddreg [dreg:$0xb];
	[sflag:s20] =	ssyncadd.s32 $0xFFFFC000  }
0x4d: {  	[hbm4b:s0+s2] =	stream.linear.scatter [tilespmem:s12], [sflag:$0xC], $0x4000, $0x38;
	[tilespmem:$0x18400] =	vst v63  }
0x4e: {  	_ =	swait.ge [sflag:s9], $0x4000  }
0x4f: {  	[sflag:s9] =	ssyncset.done $0x0  }
0x50: {  	s0 =	rddreg [dreg:$0xc];
	[sflag:s9] =	ssyncadd.s32 $0xFFFFC000  }
0x51: {  	[hbm4b:s0+s2] =	stream.linear.scatter [tilespmem:s6], [sflag:$0x7], $0x4000, $0x38;
	[tilespmem:$0x18400] =	vst v63  }
0x52: {  	_ =	swait.ge [sflag:s7], $0x4000  }
0x53: {  	[sflag:s7] =	ssyncset.done $0x0  }
0x54: {  	s0 =	rddreg [dreg:$0xd];
	[sflag:s7] =	ssyncadd.s32 $0xFFFFC000  }
0x55: {  	[hbm4b:s0+s2] =	stream.linear.scatter [tilespmem:s5], [sflag:$0x8], $0x4000, $0x38;
	[tilespmem:$0x18400] =	vst v63  }
0x56: {  	_ =	swait.ge [sflag:s13], $0x4000  }
0x57: {  	[sflag:s13] =	ssyncset.done $0x0  }
0x58: {  	[sflag:s13] =	ssyncadd.s32 $0xFFFFC000  }
0x59: {  	_ =	swait.ge [sflag:s11], $0x4000  }
0x5a: {  	[sflag:s11] =	ssyncset.done $0x0  }
0x5b: {  	[sflag:s11] =	ssyncadd.s32 $0xFFFFC000  }
0x5c: {  	_ =	swait.ge [sflag:s10], $0x4000  }
0x5d: {  	[sflag:s10] =	ssyncset.done $0x0  }
0x5e: {  	[sflag:s10] =	ssyncadd.s32 $0xFFFFC000  }
0x5f: {  	_ =	swait.ge [sflag:s8], $0x4000  }
0x60: {  	[sflag:s8] =	ssyncset.done $0x0  }
0x61: {  	p1 =	sne.s32 s1, $0x1;
	[sflag:s8] =	ssyncadd.s32 $0xFFFFC000  }
.Ltmp1:
0x62: {  	_ =	swait.ge [sflag:s3], $0x4000;
	(pc) =	sbr.rel @!p1 .LBB2_3-.Ltmp1, $4  }
0x63: {  	[sflag:s3] =	ssyncset.done $0x0  }
0x64: {  	[sflag:s3] =	ssyncadd.s32 $0xFFFFC000  }
0x65: {  	s1 =	sadd.s32 $0xFFFFFFFF, s1;
	_ =	swait.ge [sflag:s4], $0x4000  }
0x66: {  	p0 =	por $0x1, $0x1;
	s0 =	rddreg [dreg:$0x4];
	[sflag:s4] =	ssyncset.done $0x0  }
.LBB2_2:
0x67: {  	[sflag:s4] =	ssyncadd.s32 $0xFFFFC000  }
0x68: {  	[tilespmem:s2], [sflag:$0xD] =	stream.linear.gather [hbm4b:s0+s2], $0x200, $0x38;
	[tilespmem:$0x18400] =	vst v63  }
0x69: {  	_ =	swait.ge [sflag:s28], $0x200  }
0x6a: {  	[sflag:s28] =	ssyncset.done $0x0  }
0x6b: {  	s0 =	rddreg [dreg:$0x5];
	[sflag:s28] =	ssyncadd.s32 $0xFFFFFE00  }
0x6c: {  	[tilespmem:s25], [sflag:$0xD] =	stream.linear.gather [hbm4b:s0+s2], $0x200, $0x38;
	[tilespmem:$0x18400] =	vst v63  }
0x6d: {  	_ =	swait.ge [sflag:s28], $0x200  }
0x6e: {  	[sflag:s28] =	ssyncset.done $0x0  }
0x6f: {  	[sflag:s28] =	ssyncadd.s32 $0xFFFFFE00  }
0x70: {  	[tilespmem:s6], [sflag:$0x1] =	stream.indirect.gather [hbm4b:s19+s18], $0x80, s2, s18, $0xb8;
	[tilespmem:$0x18400] =	vst v63  }
0x71: {  	_ = 	snop  }
0x72: {  	[tilespmem:s5], [sflag:$0x2] =	stream.indirect.gather [hbm4b:s19+s18], $0x80, s18, s18, $0xb8;
	[tilespmem:$0x18400] =	vst v63  }
0x73: {  	_ = 	snop  }
0x74: {  	[tilespmem:s17], [sflag:$0x3] =	stream.indirect.gather [hbm4b:s19+s18], $0x80, s29, s18, $0xb8;
	[tilespmem:$0x18400] =	vst v63  }
0x75: {  	_ = 	snop  }
0x76: {  	[tilespmem:s16], [sflag:$0x4] =	stream.indirect.gather [hbm4b:s19+s18], $0x80, s30, s18, $0xb8;
	[tilespmem:$0x18400] =	vst v63  }
0x77: {  	_ = 	snop  }
0x78: {  	[tilespmem:s14], [sflag:$0x5] =	stream.indirect.gather [hbm4b:s15+s18], $0x80, s25, s18, $0xb8;
	[tilespmem:$0x18400] =	vst v63  }
0x79: {  	_ = 	snop  }
0x7a: {  	[tilespmem:s12], [sflag:$0x6] =	stream.indirect.gather [hbm4b:s15+s18], $0x80, s31, s18, $0xb8;
	[tilespmem:$0x18400] =	vst v63  }
0x7b: {  	_ =	swait.ge [sflag:s9], $0x4000  }
0x7c: {  	[sflag:s9] =	ssyncset.done $0x0  }
0x7d: {  	s0 =	rddreg [dreg:$0x6];
	[sflag:s9] =	ssyncadd.s32 $0xFFFFC000  }
0x7e: {  	[hbm4b:s0+s2] =	stream.linear.scatter [tilespmem:s6], [sflag:$0x7], $0x4000, $0x38;
	[tilespmem:$0x18400] =	vst v63  }
0x7f: {  	_ =	swait.ge [sflag:s3], $0x4000  }
0x80: {  	[sflag:s3] =	ssyncset.done $0x0  }
0x81: {  	[sflag:s3] =	ssyncadd.s32 $0xFFFFC000  }
0x82: {  	[tilespmem:s6], [sflag:$0x1] =	stream.indirect.gather [hbm4b:s15+s18], $0x80, s26, s18, $0xb8;
	[tilespmem:$0x18400] =	vst v63  }
0x83: {  	_ =	swait.ge [sflag:s7], $0x4000  }
0x84: {  	[sflag:s7] =	ssyncset.done $0x0  }
0x85: {  	s0 =	rddreg [dreg:$0x7];
	[sflag:s7] =	ssyncadd.s32 $0xFFFFC000  }
0x86: {  	[hbm4b:s0+s2] =	stream.linear.scatter [tilespmem:s5], [sflag:$0x8], $0x4000, $0x38;
	[tilespmem:$0x18400] =	vst v63  }
0x87: {  	_ =	swait.ge [sflag:s4], $0x4000  }
0x88: {  	[sflag:s4] =	ssyncset.done $0x0  }
0x89: {  	[sflag:s4] =	ssyncadd.s32 $0xFFFFC000  }
0x8a: {  	[tilespmem:s5], [sflag:$0x2] =	stream.indirect.gather [hbm4b:s15+s18], $0x80, s24, s18, $0xb8;
	[tilespmem:$0x18400] =	vst v63  }
0x8b: {  	_ =	swait.ge [sflag:s23], $0x4000  }
0x8c: {  	[sflag:s23] =	ssyncset.done $0x0  }
0x8d: {  	s0 =	rddreg [dreg:$0x8];
	[sflag:s23] =	ssyncadd.s32 $0xFFFFC000  }
0x8e: {  	[hbm4b:s0+s2] =	stream.linear.scatter [tilespmem:s17], [sflag:$0x9], $0x4000, $0x38;
	[tilespmem:$0x18400] =	vst v63  }
0x8f: {  	_ =	swait.ge [sflag:s22], $0x4000  }
0x90: {  	[sflag:s22] =	ssyncset.done $0x0  }
0x91: {  	s0 =	rddreg [dreg:$0x9];
	[sflag:s22] =	ssyncadd.s32 $0xFFFFC000  }
0x92: {  	[hbm4b:s0+s2] =	stream.linear.scatter [tilespmem:s16], [sflag:$0xA], $0x4000, $0x38;
	[tilespmem:$0x18400] =	vst v63  }
0x93: {  	_ =	swait.ge [sflag:s21], $0x4000  }
0x94: {  	[sflag:s21] =	ssyncset.done $0x0  }
0x95: {  	s0 =	rddreg [dreg:$0xa];
	[sflag:s21] =	ssyncadd.s32 $0xFFFFC000  }
0x96: {  	[hbm4b:s0+s2] =	stream.linear.scatter [tilespmem:s14], [sflag:$0xB], $0x4000, $0x38;
	[tilespmem:$0x18400] =	vst v63  }
0x97: {  	_ =	swait.ge [sflag:s20], $0x4000  }
0x98: {  	[sflag:s20] =	ssyncset.done $0x0  }
0x99: {  	s0 =	rddreg [dreg:$0xb];
	[sflag:s20] =	ssyncadd.s32 $0xFFFFC000  }
0x9a: {  	[hbm4b:s0+s2] =	stream.linear.scatter [tilespmem:s12], [sflag:$0xC], $0x4000, $0x38;
	[tilespmem:$0x18400] =	vst v63  }
0x9b: {  	_ =	swait.ge [sflag:s9], $0x4000  }
0x9c: {  	[sflag:s9] =	ssyncset.done $0x0  }
0x9d: {  	s0 =	rddreg [dreg:$0xc];
	[sflag:s9] =	ssyncadd.s32 $0xFFFFC000  }
0x9e: {  	[hbm4b:s0+s2] =	stream.linear.scatter [tilespmem:s6], [sflag:$0x7], $0x4000, $0x38;
	[tilespmem:$0x18400] =	vst v63  }
0x9f: {  	_ =	swait.ge [sflag:s7], $0x4000  }
0xa0: {  	[sflag:s7] =	ssyncset.done $0x0  }
0xa1: {  	s0 =	rddreg [dreg:$0xd];
	[sflag:s7] =	ssyncadd.s32 $0xFFFFC000  }
0xa2: {  	[hbm4b:s0+s2] =	stream.linear.scatter [tilespmem:s5], [sflag:$0x8], $0x4000, $0x38;
	[tilespmem:$0x18400] =	vst v63  }
0xa3: {  	_ =	swait.ge [sflag:s13], $0x4000  }
0xa4: {  	[sflag:s13] =	ssyncset.done $0x0  }
0xa5: {  	[sflag:s13] =	ssyncadd.s32 $0xFFFFC000  }
0xa6: {  	_ =	swait.ge [sflag:s11], $0x4000  }
0xa7: {  	[sflag:s11] =	ssyncset.done $0x0  }
0xa8: {  	[sflag:s11] =	ssyncadd.s32 $0xFFFFC000  }
0xa9: {  	_ =	swait.ge [sflag:s10], $0x4000  }
0xaa: {  	[sflag:s10] =	ssyncset.done $0x0  }
0xab: {  	[sflag:s10] =	ssyncadd.s32 $0xFFFFC000  }
0xac: {  	_ =	swait.ge [sflag:s8], $0x4000  }
0xad: {  	[sflag:s8] =	ssyncset.done $0x0  }
0xae: {  	p1 =	sne.s32 s1, $0x1;
	[sflag:s8] =	ssyncadd.s32 $0xFFFFC000  }
.Ltmp2:
0xaf: {  	_ =	swait.ge [sflag:s3], $0x4000;
	(pc) =	sbr.rel @p1 .LBB2_2-.Ltmp2, $4  }
0xb0: {  	[sflag:s3] =	ssyncset.done $0x0  }
0xb1: {  	[sflag:s3] =	ssyncadd.s32 $0xFFFFC000  }
0xb2: {  	_ =	swait.ge [sflag:s4], $0x4000  }
0xb3: {  	s1 =	sadd.s32 $0xFFFFFFFF, s1;
	s0 =	rddreg [dreg:$0x4];
	[sflag:s4] =	ssyncset.done $0x0  }
.LBB2_3:
0xb4: {  	[sflag:s4] =	ssyncadd.s32 @p0 $0xFFFFC000  }
0xb5: {  	[tilespmem:s2], [sflag:$0xD] =	stream.linear.gather [hbm4b:s0+s2], $0x200, $0x38;
	[tilespmem:$0x18400] =	vst v63  }
0xb6: {  	_ =	swait.ge [sflag:s28], $0x200  }
0xb7: {  	[sflag:s28] =	ssyncset.done $0x0  }
0xb8: {  	s1 =	rddreg [dreg:$0x5];
	[sflag:s28] =	ssyncadd.s32 $0xFFFFFE00  }
0xb9: {  	[tilespmem:s25], [sflag:$0xD] =	stream.linear.gather [hbm4b:s1+s2], $0x200, $0x38;
	[tilespmem:$0x18400] =	vst v63  }
0xba: {  	_ =	swait.ge [sflag:s28], $0x200  }
0xbb: {  	[sflag:s28] =	ssyncset.done $0x0  }
0xbc: {  	[sflag:s28] =	ssyncadd.s32 $0xFFFFFE00  }
0xbd: {  	[tilespmem:s6], [sflag:$0x1] =	stream.indirect.gather [hbm4b:s19+s18], $0x80, s2, s18, $0xb8;
	[tilespmem:$0x18400] =	vst v63  }
0xbe: {  	_ = 	snop  }
0xbf: {  	[tilespmem:s5], [sflag:$0x2] =	stream.indirect.gather [hbm4b:s19+s18], $0x80, s18, s18, $0xb8;
	[tilespmem:$0x18400] =	vst v63  }
0xc0: {  	_ = 	snop  }
0xc1: {  	[tilespmem:s17], [sflag:$0x3] =	stream.indirect.gather [hbm4b:s19+s18], $0x80, s29, s18, $0xb8;
	[tilespmem:$0x18400] =	vst v63  }
0xc2: {  	_ = 	snop  }
0xc3: {  	[tilespmem:s16], [sflag:$0x4] =	stream.indirect.gather [hbm4b:s19+s18], $0x80, s30, s18, $0xb8;
	[tilespmem:$0x18400] =	vst v63  }
0xc4: {  	_ = 	snop  }
0xc5: {  	[tilespmem:s14], [sflag:$0x5] =	stream.indirect.gather [hbm4b:s15+s18], $0x80, s25, s18, $0xb8;
	[tilespmem:$0x18400] =	vst v63  }
0xc6: {  	_ = 	snop  }
0xc7: {  	[tilespmem:s12], [sflag:$0x6] =	stream.indirect.gather [hbm4b:s15+s18], $0x80, s31, s18, $0xb8;
	[tilespmem:$0x18400] =	vst v63  }
0xc8: {  	_ =	swait.ge [sflag:s9], $0x4000  }
0xc9: {  	[sflag:s9] =	ssyncset.done $0x0  }
0xca: {  	s1 =	rddreg [dreg:$0x6];
	[sflag:s9] =	ssyncadd.s32 $0xFFFFC000  }
0xcb: {  	[hbm4b:s1+s2] =	stream.linear.scatter [tilespmem:s6], [sflag:$0x7], $0x4000, $0x38;
	[tilespmem:$0x18400] =	vst v63  }
0xcc: {  	_ =	swait.ge [sflag:s3], $0x4000  }
0xcd: {  	[sflag:s3] =	ssyncset.done $0x0  }
0xce: {  	[sflag:s3] =	ssyncadd.s32 $0xFFFFC000  }
0xcf: {  	[tilespmem:s6], [sflag:$0x1] =	stream.indirect.gather [hbm4b:s15+s18], $0x80, s26, s18, $0xb8;
	[tilespmem:$0x18400] =	vst v63  }
0xd0: {  	_ =	swait.ge [sflag:s7], $0x4000  }
0xd1: {  	[sflag:s7] =	ssyncset.done $0x0  }
0xd2: {  	s19 =	rddreg [dreg:$0x7];
	[sflag:s7] =	ssyncadd.s32 $0xFFFFC000  }
0xd3: {  	[hbm4b:s19+s2] =	stream.linear.scatter [tilespmem:s5], [sflag:$0x8], $0x4000, $0x38;
	[tilespmem:$0x18400] =	vst v63  }
0xd4: {  	_ =	swait.ge [sflag:s4], $0x4000  }
0xd5: {  	[sflag:s4] =	ssyncset.done $0x0  }
0xd6: {  	[sflag:s4] =	ssyncadd.s32 $0xFFFFC000  }
0xd7: {  	[tilespmem:s5], [sflag:$0x2] =	stream.indirect.gather [hbm4b:s15+s18], $0x80, s24, s18, $0xb8;
	[tilespmem:$0x18400] =	vst v63  }
0xd8: {  	_ =	swait.ge [sflag:s23], $0x4000  }
0xd9: {  	[sflag:s23] =	ssyncset.done $0x0  }
0xda: {  	s24 =	rddreg [dreg:$0x8];
	[sflag:s23] =	ssyncadd.s32 $0xFFFFC000  }
0xdb: {  	[hbm4b:s24+s2] =	stream.linear.scatter [tilespmem:s17], [sflag:$0x9], $0x4000, $0x38;
	[tilespmem:$0x18400] =	vst v63  }
0xdc: {  	_ =	swait.ge [sflag:s22], $0x4000  }
0xdd: {  	[sflag:s22] =	ssyncset.done $0x0  }
0xde: {  	s25 =	rddreg [dreg:$0x9];
	[sflag:s22] =	ssyncadd.s32 $0xFFFFC000  }
0xdf: {  	[hbm4b:s25+s2] =	stream.linear.scatter [tilespmem:s16], [sflag:$0xA], $0x4000, $0x38;
	[tilespmem:$0x18400] =	vst v63  }
0xe0: {  	_ =	swait.ge [sflag:s21], $0x4000  }
0xe1: {  	[sflag:s21] =	ssyncset.done $0x0  }
0xe2: {  	s26 =	rddreg [dreg:$0xa];
	[sflag:s21] =	ssyncadd.s32 $0xFFFFC000  }
0xe3: {  	[hbm4b:s26+s2] =	stream.linear.scatter [tilespmem:s14], [sflag:$0xB], $0x4000, $0x38;
	[tilespmem:$0x18400] =	vst v63  }
0xe4: {  	_ =	swait.ge [sflag:s20], $0x4000  }
0xe5: {  	[sflag:s20] =	ssyncset.done $0x0  }
0xe6: {  	s28 =	rddreg [dreg:$0xb];
	[sflag:s20] =	ssyncadd.s32 $0xFFFFC000  }
0xe7: {  	[hbm4b:s28+s2] =	stream.linear.scatter [tilespmem:s12], [sflag:$0xC], $0x4000, $0x38;
	[tilespmem:$0x18400] =	vst v63  }
0xe8: {  	_ =	swait.ge [sflag:s9], $0x4000  }
0xe9: {  	[sflag:s9] =	ssyncset.done $0x0  }
0xea: {  	s29 =	rddreg [dreg:$0xc];
	[sflag:s9] =	ssyncadd.s32 $0xFFFFC000  }
0xeb: {  	[hbm4b:s29+s2] =	stream.linear.scatter [tilespmem:s6], [sflag:$0x7], $0x4000, $0x38;
	[tilespmem:$0x18400] =	vst v63  }
0xec: {  	_ =	swait.ge [sflag:s7], $0x4000  }
0xed: {  	[sflag:s7] =	ssyncset.done $0x0  }
0xee: {  	s30 =	rddreg [dreg:$0xd];
	[sflag:s7] =	ssyncadd.s32 $0xFFFFC000  }
0xef: {  	[hbm4b:s30+s2] =	stream.linear.scatter [tilespmem:s5], [sflag:$0x8], $0x4000, $0x38;
	[tilespmem:$0x18400] =	vst v63  }
0xf0: {  	_ =	swait.ge [sflag:s13], $0x4000  }
0xf1: {  	[sflag:s13] =	ssyncset.done $0x0  }
0xf2: {  	[sflag:s13] =	ssyncadd.s32 $0xFFFFC000  }
0xf3: {  	_ =	swait.ge [sflag:s11], $0x4000  }
0xf4: {  	[sflag:s11] =	ssyncset.done $0x0  }
0xf5: {  	[sflag:s11] =	ssyncadd.s32 $0xFFFFC000  }
0xf6: {  	_ =	swait.ge [sflag:s10], $0x4000  }
0xf7: {  	[sflag:s10] =	ssyncset.done $0x0  }
0xf8: {  	[sflag:s10] =	ssyncadd.s32 $0xFFFFC000  }
0xf9: {  	_ =	swait.ge [sflag:s8], $0x4000  }
0xfa: {  	[sflag:s8] =	ssyncset.done $0x0  }
0xfb: {  	[sflag:s8] =	ssyncadd.s32 $0xFFFFC000  }
0xfc: {  	_ =	swait.ge [sflag:s3], $0x4000  }
0xfd: {  	[sflag:s3] =	ssyncset.done $0x0  }
0xfe: {  	[sflag:s3] =	ssyncadd.s32 $0xFFFFC000  }
0xff: {  	_ =	swait.ge [sflag:s4], $0x4000  }
0x100: {  	[sflag:s4] =	ssyncset.done $0x0  }
0x101: {  	[sflag:s4] =	ssyncadd.s32 $0xFFFFC000  }
0x102: {  	_ =	sfence.sel $0x180000  }
0x103: {  	[bflag:$0x0] =	sbarrier.arrive $0xFFFF  }
0x104: {  	_ =	strace $0x90000047  }
0x105: {  	s31 =	stileid.u32;
	[bflag:$0x2] =	sbarrier.arrive $0xFFFF  }
0x106: {  	p0 =	sne.s32 s31, $0x0;
	s0 =	rddreg [dreg:$0x3]  }
0x107: {  	s0 =	sadd.s32 @!p0 $0x100000, s0  }
0x108: {  	[sflag:s0] =	ssyncadd.tile.s32 @!p0 $0x1;
	_ =	shalt  }
.Lfunc_end2:
_tile_overlayer_lowered:
.L_overlay_start_2:
0x109: {  	(tag) =	ssettag $0x2  }
0x10a: {  	s0 =	rddreg [dreg:$0x0];
	s2 =	stileid.u32  }
0x10b: {  	s1 =	rddreg [dreg:$0x1];
	p0 =	sne.s32 s2, $0x0  }
0x10c: {  	s3 =	rddreg [dreg:$0x2];
	[bflag:$0x3] =	sbarrier.arrive $0xFFFF;
	s2 =	simm.s32 @!p0 $0x1C0D  }
0x10d: {  	[timem:s3], [sflag:s2] =	dma.local @!p0 [hbm:s0], s1  }
0x10e: {  	s0 =	simm.s32 @!p0 $0xD  }
0x10f: {  	_ =	swait.ge @!p0 [sflag:s0], s1  }
0x110: {  	s1 =	ssub.s32 @!p0 $0x0, s1;
	[sflag:s0] =	ssyncset.done @!p0 $0x0  }
0x111: {  	[sflag:s0] =	ssyncadd.s32 @!p0 s1  }
0x112: {  	[bflag:$0x3] =	sbarrier.arrive $0xFFFF  }
0x113: {  	_ =	shalt  }

</sc_bundles>
